<compile_context>
chip_gen: v7x
topology: tpu7x:2x2x1
jax: 0.10.2.dev20260603
libtpu: 0.0.44.dev20260713+nightly
codegen_flags: <defaults>
</compile_context>

<pallas_src>
import functools

import jax
import jax.numpy as jnp
from jax import lax
from jax.experimental import pallas as pl
from jax.experimental.pallas import tpu as pltpu
from jax.experimental.pallas import tpu_sc as plsc

LANES = 16


@functools.cache
def _build(n_workers, n_chunks, chunk, max_pos, embed):
    n_strips = embed // LANES
    nbuf = 5
    prime = 3
    pos_period = max_pos // chunk
    n_iters = -(-n_chunks // nbuf) * nbuf

    mesh = plsc.VectorSubcoreMesh(core_axis_name="c", subcore_axis_name="s")
    rows_w = n_chunks * chunk

    @functools.partial(
        pl.kernel,
        mesh=mesh,
        out_type=jax.ShapeDtypeStruct((n_workers * rows_w, embed), jnp.float32),
        scratch_types=[
            pltpu.VMEM((n_chunks, chunk), jnp.int32),
            pltpu.VMEM((max_pos, embed), jnp.float32),
            pltpu.VMEM((nbuf, chunk, embed), jnp.float32),
            pltpu.SemaphoreType.DMA,
            pltpu.SemaphoreType.DMA,
        ],
    )
    def emb_kernel(ids_hbm, tok_hbm, pos_hbm, out_hbm, idx_v, pos_v, buf, gsem, osem):
        wid = lax.axis_index("s") * 2 + lax.axis_index("c")
        base_row = wid * rows_w

        pltpu.sync_copy(ids_hbm.at[wid], idx_v)
        pltpu.sync_copy(pos_hbm, pos_v)

        def gather(c, slot):
            return pltpu.async_copy(tok_hbm.at[idx_v.at[c]], buf.at[slot], gsem)

        def out_cp(c, slot):
            return pltpu.async_copy(
                buf.at[slot], out_hbm.at[pl.ds(base_row + c * chunk, chunk)], osem
            )

        for p in range(prime):
            gather(p, p)

        @pl.loop(0, n_iters, step=nbuf)
        def _chunks(c0):
            for b in range(nbuf):
                c = c0 + b

                @pl.when(c < n_chunks)
                def _():
                    pltpu.make_async_copy(
                        tok_hbm.at[idx_v.at[c]], buf.at[b], gsem
                    ).wait()

                @pl.when(jnp.logical_and(c >= 2, c < n_chunks))
                def _():
                    pltpu.make_async_copy(
                        buf.at[b], out_hbm.at[pl.ds(base_row, chunk)], osem
                    ).wait()

                @pl.when(c + prime < n_chunks)
                def _():
                    gather(c + prime, (b + prime) % nbuf)

                @pl.when(c < n_chunks)
                def _():
                    poff = (c % pos_period) * chunk

                    @plsc.parallel_loop(0, chunk)
                    def _rows(r):
                        @plsc.parallel_loop(0, n_strips, unroll=8)
                        def _strips(j):
                            x = pos_v[poff + r, pl.ds(j * LANES, LANES)]
                            plsc.addupdate(buf.at[b, r, pl.ds(j * LANES, LANES)], x)

                    out_cp(c, b)

        for _ in range(2):
            pltpu.make_async_copy(
                buf.at[0], out_hbm.at[pl.ds(base_row, chunk)], osem
            ).wait()

    return emb_kernel


def kernel(input_ids, token_table, position_table):
    batch, seq = input_ids.shape
    vocab, embed = token_table.shape
    max_pos = position_table.shape[0]
    total = batch * seq
    n_workers = 32
    rows_w = total // n_workers
    chunk = 16
    n_chunks = rows_w // chunk
    assert seq == max_pos and rows_w % max_pos == 0

    ids = input_ids.astype(jnp.int32).reshape(n_workers, n_chunks, chunk)
    out = _build(n_workers, n_chunks, chunk, max_pos, embed)(
        ids, token_table, position_table
    )
    return out.reshape(batch, seq, embed)

# --- scband reference (transcript-rebuilt; emitter-appended) ---
"""Pipeline reference for scband-siglip2-text-embeddings-2216203125190 (READ-ONLY COPY).

The authoritative reference and input builder live on the scoring server;
editing this copy changes nothing except your own understanding.
"""

import jax, jax.numpy as jnp
import numpy as np

VOCAB = 256000
EMBED = 768
MAX_POS = 64
BATCH = 1024
SEQ = 64

def setup_inputs(seed: int = 0) -> dict:
    key = jax.random.key(seed)
    k_ids, k_tok, k_pos = jax.random.split(key, 3)
    input_ids = jax.random.randint(k_ids, (BATCH, SEQ), 0, VOCAB, dtype=jnp.int64 if jax.config.read('jax_enable_x64') else jnp.int32)
    token_table = jax.random.normal(k_tok, (VOCAB, EMBED), dtype=jnp.float32) * 0.02
    position_table = jax.random.normal(k_pos, (MAX_POS, EMBED), dtype=jnp.float32) * 0.02
    return {"input_ids": input_ids, "token_table": token_table, "position_table": position_table}

def reference(input_ids, token_table, position_table):
    seq_length = input_ids.shape[-1]
    # position_ids = [0, 1, ..., seq_length-1] broadcast over batch
    position_ids = jnp.arange(seq_length)
    inputs_embeds = jnp.take(token_table, input_ids, axis=0)          # gather: [B, S, D]
    position_embeddings = jnp.take(position_table, position_ids, axis=0)[None, :, :]  # [1, S, D]
    embeddings = inputs_embeds + position_embeddings
    return embeddings

if __name__ == "__main__":
    import jax
    _d = setup_inputs()
    print(jax.jit(kernel)(*tuple(_d.values())))

</pallas_src>

<mosaic_0001>
#map = affine_map<(d0, d1) -> (0, 0, 0)>
#map1 = affine_map<(d0, d1) -> (0, 0)>
module attributes {stable_mosaic.version = 14 : i64} {
  func.func @emb_kernel(%arg0: i32, %arg1: i32, %arg2: memref<32x128x16xi32, #tpu.memory_space<hbm>>, %arg3: memref<256000x768xf32, #tpu.memory_space<hbm>>, %arg4: memref<64x768xf32, #tpu.memory_space<hbm>>, %arg5: memref<65536x768xf32, #tpu.memory_space<hbm>>, %arg6: memref<128x16xi32, #tpu.memory_space<vmem>>, %arg7: memref<64x768xf32, #tpu.memory_space<vmem>>, %arg8: memref<5x16x768xf32, #tpu.memory_space<vmem>>, %arg9: memref<!tpu.dma_semaphore, #tpu.memory_space<semaphore_mem>>, %arg10: memref<!tpu.dma_semaphore, #tpu.memory_space<semaphore_mem>>) attributes {dimension_semantics = [#tpu.dimension_semantics<core_parallel>, #tpu.dimension_semantics<subcore_parallel>], iteration_bounds = array<i64: 2, 16>, scalar_prefetch = 0 : i64, scratch_operands = 5 : i64, tpu.core_type = #tpu.core_type<sc_vector_subcore>, window_params = [{transform_indices = #map}, {transform_indices = #map1}, {transform_indices = #map1}, {transform_indices = #map1}]} {
    %mul3A = arith.constant 2 : i32
    %mul3A_0 = arith.muli %arg1, %mul3A : i32
    %add3A = arith.addi %mul3A_0, %arg0 : i32
    %mul3A_1 = arith.constant 2048 : i32
    %mul3A_2 = arith.muli %add3A, %mul3A_1 : i32
    "tpu.region"() ({
      %run_scoped3A = tpu.sem_alloc : memref<!tpu.dma_semaphore, #tpu.memory_space<semaphore_mem>>
      %dma_start3A_67 = arith.constant 0 : i32
      %dma_start3A_68 = arith.constant 0 : i32
      %dma_start3A_69 = tpu.memref_slice %arg2[%add3A, %dma_start3A_67, %dma_start3A_68] : memref<32x128x16xi32, #tpu.memory_space<hbm>> -> memref<1x128x16xi32, #tpu.memory_space<hbm>>
      %dma_start3A_70 = tpu.memref_squeeze %dma_start3A_69 : memref<1x128x16xi32, #tpu.memory_space<hbm>> -> memref<128x16xi32, #tpu.memory_space<hbm>>
      %dma_start3A_71 = arith.constant 0 : i32
      %dma_start3A_72 = arith.constant 0 : i32
      %dma_start3A_73 = tpu.memref_slice %arg2[%add3A, %dma_start3A_71, %dma_start3A_72] : memref<32x128x16xi32, #tpu.memory_space<hbm>> -> memref<1x128x16xi32, #tpu.memory_space<hbm>>
      %dma_start3A_74 = tpu.memref_squeeze %dma_start3A_73 : memref<1x128x16xi32, #tpu.memory_space<hbm>> -> memref<128x16xi32, #tpu.memory_space<hbm>>
      tpu.enqueue_dma source(%dma_start3A_74 : memref<128x16xi32, #tpu.memory_space<hbm>>) target(%arg6 : memref<128x16xi32, #tpu.memory_space<vmem>>) target_semaphore(%run_scoped3A : memref<!tpu.dma_semaphore, #tpu.memory_space<semaphore_mem>>)
      %dma_wait3A_75 = arith.constant 0 : i32
      %dma_wait3A_76 = arith.constant 0 : i32
      %dma_wait3A_77 = tpu.memref_slice %arg2[%add3A, %dma_wait3A_75, %dma_wait3A_76] : memref<32x128x16xi32, #tpu.memory_space<hbm>> -> memref<1x128x16xi32, #tpu.memory_space<hbm>>
      %dma_wait3A_78 = tpu.memref_squeeze %dma_wait3A_77 : memref<1x128x16xi32, #tpu.memory_space<hbm>> -> memref<128x16xi32, #tpu.memory_space<hbm>>
      %dma_wait3A_79 = arith.constant 0 : i32
      %dma_wait3A_80 = arith.constant 0 : i32
      %dma_wait3A_81 = tpu.memref_slice %arg2[%add3A, %dma_wait3A_79, %dma_wait3A_80] : memref<32x128x16xi32, #tpu.memory_space<hbm>> -> memref<1x128x16xi32, #tpu.memory_space<hbm>>
      %dma_wait3A_82 = tpu.memref_squeeze %dma_wait3A_81 : memref<1x128x16xi32, #tpu.memory_space<hbm>> -> memref<128x16xi32, #tpu.memory_space<hbm>>
      tpu.wait_dma2 semaphore(%run_scoped3A : memref<!tpu.dma_semaphore, #tpu.memory_space<semaphore_mem>>) src(%dma_wait3A_82 : memref<128x16xi32, #tpu.memory_space<hbm>>) dst(%arg6 : memref<128x16xi32, #tpu.memory_space<vmem>>)
      tpu.yield
    }) : () -> ()
    "tpu.region"() ({
      %run_scoped3A = tpu.sem_alloc : memref<!tpu.dma_semaphore, #tpu.memory_space<semaphore_mem>>
      tpu.enqueue_dma source(%arg4 : memref<64x768xf32, #tpu.memory_space<hbm>>) target(%arg7 : memref<64x768xf32, #tpu.memory_space<vmem>>) target_semaphore(%run_scoped3A : memref<!tpu.dma_semaphore, #tpu.memory_space<semaphore_mem>>)
      tpu.wait_dma2 semaphore(%run_scoped3A : memref<!tpu.dma_semaphore, #tpu.memory_space<semaphore_mem>>) src(%arg4 : memref<64x768xf32, #tpu.memory_space<hbm>>) dst(%arg7 : memref<64x768xf32, #tpu.memory_space<vmem>>)
      tpu.yield
    }) : () -> ()
    %dma_start3A = arith.constant 0 : i32
    %dma_start3A_3 = arith.constant 0 : i32
    %dma_start3A_4 = arith.constant 0 : i32
    %dma_start3A_5 = arith.constant 0 : i32
    %dma_start3A_6 = tpu.memref_slice %arg8[%dma_start3A_3, %dma_start3A_4, %dma_start3A_5] : memref<5x16x768xf32, #tpu.memory_space<vmem>> -> memref<1x16x768xf32, #tpu.memory_space<vmem>>
    %dma_start3A_7 = tpu.memref_squeeze %dma_start3A_6 : memref<1x16x768xf32, #tpu.memory_space<vmem>> -> memref<16x768xf32, #tpu.memory_space<vmem>>
    %dma_start3A_8 = arith.constant 0 : i32
    %dma_start3A_9 = tpu.memref_slice %arg6[%dma_start3A, %dma_start3A_8] : memref<128x16xi32, #tpu.memory_space<vmem>> -> memref<1x16xi32, #tpu.memory_space<vmem>>
    %dma_start3A_10 = tpu.memref_squeeze %dma_start3A_9 : memref<1x16xi32, #tpu.memory_space<vmem>> -> memref<16xi32, #tpu.memory_space<vmem>>
    %dma_start3A_11 = arith.constant 0 : i32
    %dma_start3A_12 = arith.constant 0 : i32
    %dma_start3A_13 = tpu.memref_slice %arg3[%dma_start3A_11, %dma_start3A_12] : memref<256000x768xf32, #tpu.memory_space<hbm>> -> memref<256000x768xf32, #tpu.memory_space<hbm>>
    tpu.enqueue_indirect_dma source(%dma_start3A_13 : memref<256000x768xf32, #tpu.memory_space<hbm>>) target(%dma_start3A_7 : memref<16x768xf32, #tpu.memory_space<vmem>>) offsets(%dma_start3A_10 : memref<16xi32, #tpu.memory_space<vmem>>) semaphore(%arg9 : memref<!tpu.dma_semaphore, #tpu.memory_space<semaphore_mem>>)
    %dma_start3A_14 = arith.constant 1 : i32
    %dma_start3A_15 = arith.constant 1 : i32
    %dma_start3A_16 = arith.constant 0 : i32
    %dma_start3A_17 = arith.constant 0 : i32
    %dma_start3A_18 = tpu.memref_slice %arg8[%dma_start3A_15, %dma_start3A_16, %dma_start3A_17] : memref<5x16x768xf32, #tpu.memory_space<vmem>> -> memref<1x16x768xf32, #tpu.memory_space<vmem>>
    %dma_start3A_19 = tpu.memref_squeeze %dma_start3A_18 : memref<1x16x768xf32, #tpu.memory_space<vmem>> -> memref<16x768xf32, #tpu.memory_space<vmem>>
    %dma_start3A_20 = arith.constant 0 : i32
    %dma_start3A_21 = tpu.memref_slice %arg6[%dma_start3A_14, %dma_start3A_20] : memref<128x16xi32, #tpu.memory_space<vmem>> -> memref<1x16xi32, #tpu.memory_space<vmem>>
    %dma_start3A_22 = tpu.memref_squeeze %dma_start3A_21 : memref<1x16xi32, #tpu.memory_space<vmem>> -> memref<16xi32, #tpu.memory_space<vmem>>
    %dma_start3A_23 = arith.constant 0 : i32
    %dma_start3A_24 = arith.constant 0 : i32
    %dma_start3A_25 = tpu.memref_slice %arg3[%dma_start3A_23, %dma_start3A_24] : memref<256000x768xf32, #tpu.memory_space<hbm>> -> memref<256000x768xf32, #tpu.memory_space<hbm>>
    tpu.enqueue_indirect_dma source(%dma_start3A_25 : memref<256000x768xf32, #tpu.memory_space<hbm>>) target(%dma_start3A_19 : memref<16x768xf32, #tpu.memory_space<vmem>>) offsets(%dma_start3A_22 : memref<16xi32, #tpu.memory_space<vmem>>) semaphore(%arg9 : memref<!tpu.dma_semaphore, #tpu.memory_space<semaphore_mem>>)
    %dma_start3A_26 = arith.constant 2 : i32
    %dma_start3A_27 = arith.constant 2 : i32
    %dma_start3A_28 = arith.constant 0 : i32
    %dma_start3A_29 = arith.constant 0 : i32
    %dma_start3A_30 = tpu.memref_slice %arg8[%dma_start3A_27, %dma_start3A_28, %dma_start3A_29] : memref<5x16x768xf32, #tpu.memory_space<vmem>> -> memref<1x16x768xf32, #tpu.memory_space<vmem>>
    %dma_start3A_31 = tpu.memref_squeeze %dma_start3A_30 : memref<1x16x768xf32, #tpu.memory_space<vmem>> -> memref<16x768xf32, #tpu.memory_space<vmem>>
    %dma_start3A_32 = arith.constant 0 : i32
    %dma_start3A_33 = tpu.memref_slice %arg6[%dma_start3A_26, %dma_start3A_32] : memref<128x16xi32, #tpu.memory_space<vmem>> -> memref<1x16xi32, #tpu.memory_space<vmem>>
    %dma_start3A_34 = tpu.memref_squeeze %dma_start3A_33 : memref<1x16xi32, #tpu.memory_space<vmem>> -> memref<16xi32, #tpu.memory_space<vmem>>
    %dma_start3A_35 = arith.constant 0 : i32
    %dma_start3A_36 = arith.constant 0 : i32
    %dma_start3A_37 = tpu.memref_slice %arg3[%dma_start3A_35, %dma_start3A_36] : memref<256000x768xf32, #tpu.memory_space<hbm>> -> memref<256000x768xf32, #tpu.memory_space<hbm>>
    tpu.enqueue_indirect_dma source(%dma_start3A_37 : memref<256000x768xf32, #tpu.memory_space<hbm>>) target(%dma_start3A_31 : memref<16x768xf32, #tpu.memory_space<vmem>>) offsets(%dma_start3A_34 : memref<16xi32, #tpu.memory_space<vmem>>) semaphore(%arg9 : memref<!tpu.dma_semaphore, #tpu.memory_space<semaphore_mem>>)
    %scan3A = arith.constant 0 : i32
    %scan3A_38 = arith.constant 26 : i32
    %scan3A_39 = arith.addi %scan3A, %scan3A_38 : i32
    %scan3A_40 = arith.constant 1 : i32
    scf.for %scan3A_67 = %scan3A to %scan3A_39 step %scan3A_40  : i32 {
      %mul3A_68 = arith.constant 5 : i32
      %mul3A_69 = arith.muli %scan3A_67, %mul3A_68 : i32
      %add3A_70 = arith.constant 0 : i32
      %add3A_71 = arith.addi %add3A_70, %mul3A_69 : i32
      %add3A_72 = arith.constant 0 : i32
      %add3A_73 = arith.addi %add3A_71, %add3A_72 : i32
      %lt3A = arith.constant 128 : i32
      %lt3A_74 = arith.cmpi slt, %add3A_73, %lt3A : i32
      %convert_element_type3A = arith.extui %lt3A_74 : i1 to i32
      %cond3A = arith.constant 0 : i32
      %cond3A_75 = arith.cmpi ne, %convert_element_type3A, %cond3A : i32
      scf.if %cond3A_75 {
        %dma_wait3A_202 = arith.constant 0 : i32
        %dma_wait3A_203 = arith.constant 0 : i32
        %dma_wait3A_204 = arith.constant 0 : i32
        %dma_wait3A_205 = tpu.memref_slice %arg8[%dma_wait3A_202, %dma_wait3A_203, %dma_wait3A_204] : memref<5x16x768xf32, #tpu.memory_space<vmem>> -> memref<1x16x768xf32, #tpu.memory_space<vmem>>
        %dma_wait3A_206 = tpu.memref_squeeze %dma_wait3A_205 : memref<1x16x768xf32, #tpu.memory_space<vmem>> -> memref<16x768xf32, #tpu.memory_space<vmem>>
        %dma_wait3A_207 = arith.constant 0 : i32
        %dma_wait3A_208 = tpu.memref_slice %arg6[%add3A_73, %dma_wait3A_207] : memref<128x16xi32, #tpu.memory_space<vmem>> -> memref<1x16xi32, #tpu.memory_space<vmem>>
        %dma_wait3A_209 = tpu.memref_squeeze %dma_wait3A_208 : memref<1x16xi32, #tpu.memory_space<vmem>> -> memref<16xi32, #tpu.memory_space<vmem>>
        %dma_wait3A_210 = arith.constant 0 : i32
        %dma_wait3A_211 = arith.constant 0 : i32
        %dma_wait3A_212 = tpu.memref_slice %arg3[%dma_wait3A_210, %dma_wait3A_211] : memref<256000x768xf32, #tpu.memory_space<hbm>> -> memref<256000x768xf32, #tpu.memory_space<hbm>>
        tpu.wait_indirect_dma semaphore(%arg9 : memref<!tpu.dma_semaphore, #tpu.memory_space<semaphore_mem>>) src(%dma_wait3A_212 : memref<256000x768xf32, #tpu.memory_space<hbm>>) dst(%dma_wait3A_206 : memref<16x768xf32, #tpu.memory_space<vmem>>)
      } else {
      }
      %ge3A = arith.constant 2 : i32
      %ge3A_76 = arith.cmpi sge, %add3A_73, %ge3A : i32
      %lt3A_77 = arith.constant 128 : i32
      %lt3A_78 = arith.cmpi slt, %add3A_73, %lt3A_77 : i32
      %and3A = arith.andi %ge3A_76, %lt3A_78 : i1
      %convert_element_type3A_79 = arith.extui %and3A : i1 to i32
      %cond3A_80 = arith.constant 0 : i32
      %cond3A_81 = arith.cmpi ne, %convert_element_type3A_79, %cond3A_80 : i32
      scf.if %cond3A_81 {
        %dma_wait3A_202 = arith.constant 0 : i32
        %dma_wait3A_203 = arith.constant 0 : i32
        %dma_wait3A_204 = arith.constant 0 : i32
        %dma_wait3A_205 = tpu.memref_slice %arg8[%dma_wait3A_202, %dma_wait3A_203, %dma_wait3A_204] : memref<5x16x768xf32, #tpu.memory_space<vmem>> -> memref<1x16x768xf32, #tpu.memory_space<vmem>>
        %dma_wait3A_206 = tpu.memref_squeeze %dma_wait3A_205 : memref<1x16x768xf32, #tpu.memory_space<vmem>> -> memref<16x768xf32, #tpu.memory_space<vmem>>
        %dma_wait3A_207 = arith.constant 0 : i32
        %dma_wait3A_208 = tpu.memref_slice %arg5[%mul3A_2, %dma_wait3A_207] : memref<65536x768xf32, #tpu.memory_space<hbm>> -> memref<16x768xf32, #tpu.memory_space<hbm>>
        %dma_wait3A_209 = arith.constant 0 : i32
        %dma_wait3A_210 = tpu.memref_slice %arg5[%mul3A_2, %dma_wait3A_209] : memref<65536x768xf32, #tpu.memory_space<hbm>> -> memref<16x768xf32, #tpu.memory_space<hbm>>
        %dma_wait3A_211 = arith.constant 0 : i32
        %dma_wait3A_212 = arith.constant 0 : i32
        %dma_wait3A_213 = tpu.memref_slice %arg8[%dma_wait3A_202, %dma_wait3A_211, %dma_wait3A_212] : memref<5x16x768xf32, #tpu.memory_space<vmem>> -> memref<1x16x768xf32, #tpu.memory_space<vmem>>
        %dma_wait3A_214 = tpu.memref_squeeze %dma_wait3A_213 : memref<1x16x768xf32, #tpu.memory_space<vmem>> -> memref<16x768xf32, #tpu.memory_space<vmem>>
        tpu.wait_dma2 semaphore(%arg10 : memref<!tpu.dma_semaphore, #tpu.memory_space<semaphore_mem>>) src(%dma_wait3A_214 : memref<16x768xf32, #tpu.memory_space<vmem>>) dst(%dma_wait3A_210 : memref<16x768xf32, #tpu.memory_space<hbm>>)
      } else {
      }
      %add3A_82 = arith.constant 3 : i32
      %add3A_83 = arith.addi %add3A_73, %add3A_82 : i32
      %lt3A_84 = arith.constant 128 : i32
      %lt3A_85 = arith.cmpi slt, %add3A_83, %lt3A_84 : i32
      %convert_element_type3A_86 = arith.extui %lt3A_85 : i1 to i32
      %cond3A_87 = arith.constant 0 : i32
      %cond3A_88 = arith.cmpi ne, %convert_element_type3A_86, %cond3A_87 : i32
      scf.if %cond3A_88 {
        %add3A_202 = arith.constant 3 : i32
        %add3A_203 = arith.addi %add3A_73, %add3A_202 : i32
        %dma_start3A_204 = arith.constant 3 : i32
        %dma_start3A_205 = arith.constant 0 : i32
        %dma_start3A_206 = arith.constant 0 : i32
        %dma_start3A_207 = tpu.memref_slice %arg8[%dma_start3A_204, %dma_start3A_205, %dma_start3A_206] : memref<5x16x768xf32, #tpu.memory_space<vmem>> -> memref<1x16x768xf32, #tpu.memory_space<vmem>>
        %dma_start3A_208 = tpu.memref_squeeze %dma_start3A_207 : memref<1x16x768xf32, #tpu.memory_space<vmem>> -> memref<16x768xf32, #tpu.memory_space<vmem>>
        %dma_start3A_209 = arith.constant 0 : i32
        %dma_start3A_210 = tpu.memref_slice %arg6[%add3A_203, %dma_start3A_209] : memref<128x16xi32, #tpu.memory_space<vmem>> -> memref<1x16xi32, #tpu.memory_space<vmem>>
        %dma_start3A_211 = tpu.memref_squeeze %dma_start3A_210 : memref<1x16xi32, #tpu.memory_space<vmem>> -> memref<16xi32, #tpu.memory_space<vmem>>
        %dma_start3A_212 = arith.constant 0 : i32
        %dma_start3A_213 = arith.constant 0 : i32
        %dma_start3A_214 = tpu.memref_slice %arg3[%dma_start3A_212, %dma_start3A_213] : memref<256000x768xf32, #tpu.memory_space<hbm>> -> memref<256000x768xf32, #tpu.memory_space<hbm>>
        tpu.enqueue_indirect_dma source(%dma_start3A_214 : memref<256000x768xf32, #tpu.memory_space<hbm>>) target(%dma_start3A_208 : memref<16x768xf32, #tpu.memory_space<vmem>>) offsets(%dma_start3A_211 : memref<16xi32, #tpu.memory_space<vmem>>) semaphore(%arg9 : memref<!tpu.dma_semaphore, #tpu.memory_space<semaphore_mem>>)
      } else {
      }
      %lt3A_89 = arith.constant 128 : i32
      %lt3A_90 = arith.cmpi slt, %add3A_73, %lt3A_89 : i32
      %convert_element_type3A_91 = arith.extui %lt3A_90 : i1 to i32
      %cond3A_92 = arith.constant 0 : i32
      %cond3A_93 = arith.cmpi ne, %convert_element_type3A_91, %cond3A_92 : i32
      scf.if %cond3A_93 {
        %jit3A = arith.constant 4 : i32
        %eq3A = arith.constant 0 : i32
        %eq3A_202 = arith.cmpi eq, %jit3A, %eq3A : i32
        %jit3A_203 = arith.constant 1 : i32
        %select_n3A = arith.select %eq3A_202, %jit3A_203, %jit3A : i32
        %rem3A = arith.remsi %add3A_73, %select_n3A : i32
        %ne3A = arith.constant 0 : i32
        %ne3A_204 = arith.cmpi ne, %rem3A, %ne3A : i32
        %lt3A_205 = arith.constant 0 : i32
        %lt3A_206 = arith.cmpi slt, %rem3A, %lt3A_205 : i32
        %lt3A_207 = arith.constant 0 : i32
        %lt3A_208 = arith.cmpi slt, %select_n3A, %lt3A_207 : i32
        %ne3A_209 = arith.xori %lt3A_206, %lt3A_208 : i1
        %and3A_210 = arith.andi %ne3A_209, %ne3A_204 : i1
        %add3A_211 = arith.addi %rem3A, %select_n3A : i32
        %select_n3A_212 = arith.select %and3A_210, %add3A_211, %rem3A : i32
        %mul3A_213 = arith.constant 16 : i32
        %mul3A_214 = arith.muli %select_n3A_212, %mul3A_213 : i32
        %parallel_loop3A = arith.constant 0 : i32
        %parallel_loop3A_215 = arith.constant 16 : i32
        %parallel_loop3A_216 = arith.constant 1 : i32
        scf.for %parallel_loop3A_233 = %parallel_loop3A to %parallel_loop3A_215 step %parallel_loop3A_216  : i32 {
          %parallel_loop3A_234 = arith.constant 0 : i32
          %parallel_loop3A_235 = arith.constant 48 : i32
          %parallel_loop3A_236 = arith.constant 1 : i32
          scf.for %parallel_loop3A_237 = %parallel_loop3A_234 to %parallel_loop3A_235 step %parallel_loop3A_236  : i32 {
            %parallel_loop3A_238 = arith.addi %mul3A_214, %parallel_loop3A_233 : i32
            %parallel_loop3A_239 = arith.constant 16 : i32
            %parallel_loop3A_240 = arith.muli %parallel_loop3A_237, %parallel_loop3A_239 : i32
            %parallel_loop3A_241 = arith.index_cast %parallel_loop3A_238 : i32 to index
            %parallel_loop3A_242 = arith.index_cast %parallel_loop3A_240 : i32 to index
            %parallel_loop3A_243 = tpu.vector_load %arg7[%parallel_loop3A_241, %parallel_loop3A_242] {strides = array<i32>} : memref<64x768xf32, #tpu.memory_space<vmem>>, vector<1x16xf32>,
            %parallel_loop3A_244 = vector.shape_cast %parallel_loop3A_243 : vector<1x16xf32> to vector<16xf32>
            %parallel_loop3A_245 = arith.constant 16 : i32
            %parallel_loop3A_246 = arith.muli %parallel_loop3A_237, %parallel_loop3A_245 : i32
            %parallel_loop3A_247 = arith.constant 0 : i32
            %parallel_loop3A_248 = arith.index_cast %parallel_loop3A_247 : i32 to index
            %parallel_loop3A_249 = arith.index_cast %parallel_loop3A_233 : i32 to index
            %parallel_loop3A_250 = arith.index_cast %parallel_loop3A_246 : i32 to index
            %parallel_loop3A_251 = tpu.vector_load %arg8[%parallel_loop3A_248, %parallel_loop3A_249, %parallel_loop3A_250] {strides = array<i32>} : memref<5x16x768xf32, #tpu.memory_space<vmem>>, vector<1x1x16xf32>,
            %parallel_loop3A_252 = vector.shape_cast %parallel_loop3A_251 : vector<1x1x16xf32> to vector<16xf32>
            %parallel_loop3A_253 = vector.shape_cast %parallel_loop3A_244 : vector<16xf32> to vector<1x1x16xf32>
            tpu.vector_store %arg8[%parallel_loop3A_248, %parallel_loop3A_249, %parallel_loop3A_250], %parallel_loop3A_253 {add = true, strides = array<i32>} : memref<5x16x768xf32, #tpu.memory_space<vmem>>, vector<1x1x16xf32>,
          } {sc.loop_unroll_factor = 8 : i64, sc.parallel_access}
        } {sc.loop_unroll_factor = 1 : i64, sc.parallel_access}
        %mul3A_217 = arith.constant 16 : i32
        %mul3A_218 = arith.muli %add3A_73, %mul3A_217 : i32
        %add3A_219 = arith.addi %mul3A_2, %mul3A_218 : i32
        %dma_start3A_220 = arith.constant 0 : i32
        %dma_start3A_221 = arith.constant 0 : i32
        %dma_start3A_222 = arith.constant 0 : i32
        %dma_start3A_223 = tpu.memref_slice %arg8[%dma_start3A_220, %dma_start3A_221, %dma_start3A_222] : memref<5x16x768xf32, #tpu.memory_space<vmem>> -> memref<1x16x768xf32, #tpu.memory_space<vmem>>
        %dma_start3A_224 = tpu.memref_squeeze %dma_start3A_223 : memref<1x16x768xf32, #tpu.memory_space<vmem>> -> memref<16x768xf32, #tpu.memory_space<vmem>>
        %dma_start3A_225 = arith.constant 0 : i32
        %dma_start3A_226 = tpu.memref_slice %arg5[%add3A_219, %dma_start3A_225] : memref<65536x768xf32, #tpu.memory_space<hbm>> -> memref<16x768xf32, #tpu.memory_space<hbm>>
        %dma_start3A_227 = arith.constant 0 : i32
        %dma_start3A_228 = tpu.memref_slice %arg5[%add3A_219, %dma_start3A_227] : memref<65536x768xf32, #tpu.memory_space<hbm>> -> memref<16x768xf32, #tpu.memory_space<hbm>>
        %dma_start3A_229 = arith.constant 0 : i32
        %dma_start3A_230 = arith.constant 0 : i32
        %dma_start3A_231 = tpu.memref_slice %arg8[%dma_start3A_220, %dma_start3A_229, %dma_start3A_230] : memref<5x16x768xf32, #tpu.memory_space<vmem>> -> memref<1x16x768xf32, #tpu.memory_space<vmem>>
        %dma_start3A_232 = tpu.memref_squeeze %dma_start3A_231 : memref<1x16x768xf32, #tpu.memory_space<vmem>> -> memref<16x768xf32, #tpu.memory_space<vmem>>
        tpu.enqueue_dma source(%dma_start3A_232 : memref<16x768xf32, #tpu.memory_space<vmem>>) target(%dma_start3A_228 : memref<16x768xf32, #tpu.memory_space<hbm>>) target_semaphore(%arg10 : memref<!tpu.dma_semaphore, #tpu.memory_space<semaphore_mem>>)
      } else {
      }
      %add3A_94 = arith.constant 1 : i32
      %add3A_95 = arith.addi %add3A_71, %add3A_94 : i32
      %lt3A_96 = arith.constant 128 : i32
      %lt3A_97 = arith.cmpi slt, %add3A_95, %lt3A_96 : i32
      %convert_element_type3A_98 = arith.extui %lt3A_97 : i1 to i32
      %cond3A_99 = arith.constant 0 : i32
      %cond3A_100 = arith.cmpi ne, %convert_element_type3A_98, %cond3A_99 : i32
      scf.if %cond3A_100 {
        %dma_wait3A_202 = arith.constant 1 : i32
        %dma_wait3A_203 = arith.constant 0 : i32
        %dma_wait3A_204 = arith.constant 0 : i32
        %dma_wait3A_205 = tpu.memref_slice %arg8[%dma_wait3A_202, %dma_wait3A_203, %dma_wait3A_204] : memref<5x16x768xf32, #tpu.memory_space<vmem>> -> memref<1x16x768xf32, #tpu.memory_space<vmem>>
        %dma_wait3A_206 = tpu.memref_squeeze %dma_wait3A_205 : memref<1x16x768xf32, #tpu.memory_space<vmem>> -> memref<16x768xf32, #tpu.memory_space<vmem>>
        %dma_wait3A_207 = arith.constant 0 : i32
        %dma_wait3A_208 = tpu.memref_slice %arg6[%add3A_95, %dma_wait3A_207] : memref<128x16xi32, #tpu.memory_space<vmem>> -> memref<1x16xi32, #tpu.memory_space<vmem>>
        %dma_wait3A_209 = tpu.memref_squeeze %dma_wait3A_208 : memref<1x16xi32, #tpu.memory_space<vmem>> -> memref<16xi32, #tpu.memory_space<vmem>>
        %dma_wait3A_210 = arith.constant 0 : i32
        %dma_wait3A_211 = arith.constant 0 : i32
        %dma_wait3A_212 = tpu.memref_slice %arg3[%dma_wait3A_210, %dma_wait3A_211] : memref<256000x768xf32, #tpu.memory_space<hbm>> -> memref<256000x768xf32, #tpu.memory_space<hbm>>
        tpu.wait_indirect_dma semaphore(%arg9 : memref<!tpu.dma_semaphore, #tpu.memory_space<semaphore_mem>>) src(%dma_wait3A_212 : memref<256000x768xf32, #tpu.memory_space<hbm>>) dst(%dma_wait3A_206 : memref<16x768xf32, #tpu.memory_space<vmem>>)
      } else {
      }
      %ge3A_101 = arith.constant 2 : i32
      %ge3A_102 = arith.cmpi sge, %add3A_95, %ge3A_101 : i32
      %lt3A_103 = arith.constant 128 : i32
      %lt3A_104 = arith.cmpi slt, %add3A_95, %lt3A_103 : i32
      %and3A_105 = arith.andi %ge3A_102, %lt3A_104 : i1
      %convert_element_type3A_106 = arith.extui %and3A_105 : i1 to i32
      %cond3A_107 = arith.constant 0 : i32
      %cond3A_108 = arith.cmpi ne, %convert_element_type3A_106, %cond3A_107 : i32
      scf.if %cond3A_108 {
        %dma_wait3A_202 = arith.constant 1 : i32
        %dma_wait3A_203 = arith.constant 0 : i32
        %dma_wait3A_204 = arith.constant 0 : i32
        %dma_wait3A_205 = tpu.memref_slice %arg8[%dma_wait3A_202, %dma_wait3A_203, %dma_wait3A_204] : memref<5x16x768xf32, #tpu.memory_space<vmem>> -> memref<1x16x768xf32, #tpu.memory_space<vmem>>
        %dma_wait3A_206 = tpu.memref_squeeze %dma_wait3A_205 : memref<1x16x768xf32, #tpu.memory_space<vmem>> -> memref<16x768xf32, #tpu.memory_space<vmem>>
        %dma_wait3A_207 = arith.constant 0 : i32
        %dma_wait3A_208 = tpu.memref_slice %arg5[%mul3A_2, %dma_wait3A_207] : memref<65536x768xf32, #tpu.memory_space<hbm>> -> memref<16x768xf32, #tpu.memory_space<hbm>>
        %dma_wait3A_209 = arith.constant 0 : i32
        %dma_wait3A_210 = tpu.memref_slice %arg5[%mul3A_2, %dma_wait3A_209] : memref<65536x768xf32, #tpu.memory_space<hbm>> -> memref<16x768xf32, #tpu.memory_space<hbm>>
        %dma_wait3A_211 = arith.constant 0 : i32
        %dma_wait3A_212 = arith.constant 0 : i32
        %dma_wait3A_213 = tpu.memref_slice %arg8[%dma_wait3A_202, %dma_wait3A_211, %dma_wait3A_212] : memref<5x16x768xf32, #tpu.memory_space<vmem>> -> memref<1x16x768xf32, #tpu.memory_space<vmem>>
        %dma_wait3A_214 = tpu.memref_squeeze %dma_wait3A_213 : memref<1x16x768xf32, #tpu.memory_space<vmem>> -> memref<16x768xf32, #tpu.memory_space<vmem>>
        tpu.wait_dma2 semaphore(%arg10 : memref<!tpu.dma_semaphore, #tpu.memory_space<semaphore_mem>>) src(%dma_wait3A_214 : memref<16x768xf32, #tpu.memory_space<vmem>>) dst(%dma_wait3A_210 : memref<16x768xf32, #tpu.memory_space<hbm>>)
      } else {
      }
      %add3A_109 = arith.constant 3 : i32
      %add3A_110 = arith.addi %add3A_95, %add3A_109 : i32
      %lt3A_111 = arith.constant 128 : i32
      %lt3A_112 = arith.cmpi slt, %add3A_110, %lt3A_111 : i32
      %convert_element_type3A_113 = arith.extui %lt3A_112 : i1 to i32
      %cond3A_114 = arith.constant 0 : i32
      %cond3A_115 = arith.cmpi ne, %convert_element_type3A_113, %cond3A_114 : i32
      scf.if %cond3A_115 {
        %add3A_202 = arith.constant 3 : i32
        %add3A_203 = arith.addi %add3A_95, %add3A_202 : i32
        %dma_start3A_204 = arith.constant 4 : i32
        %dma_start3A_205 = arith.constant 0 : i32
        %dma_start3A_206 = arith.constant 0 : i32
        %dma_start3A_207 = tpu.memref_slice %arg8[%dma_start3A_204, %dma_start3A_205, %dma_start3A_206] : memref<5x16x768xf32, #tpu.memory_space<vmem>> -> memref<1x16x768xf32, #tpu.memory_space<vmem>>
        %dma_start3A_208 = tpu.memref_squeeze %dma_start3A_207 : memref<1x16x768xf32, #tpu.memory_space<vmem>> -> memref<16x768xf32, #tpu.memory_space<vmem>>
        %dma_start3A_209 = arith.constant 0 : i32
        %dma_start3A_210 = tpu.memref_slice %arg6[%add3A_203, %dma_start3A_209] : memref<128x16xi32, #tpu.memory_space<vmem>> -> memref<1x16xi32, #tpu.memory_space<vmem>>
        %dma_start3A_211 = tpu.memref_squeeze %dma_start3A_210 : memref<1x16xi32, #tpu.memory_space<vmem>> -> memref<16xi32, #tpu.memory_space<vmem>>
        %dma_start3A_212 = arith.constant 0 : i32
        %dma_start3A_213 = arith.constant 0 : i32
        %dma_start3A_214 = tpu.memref_slice %arg3[%dma_start3A_212, %dma_start3A_213] : memref<256000x768xf32, #tpu.memory_space<hbm>> -> memref<256000x768xf32, #tpu.memory_space<hbm>>
        tpu.enqueue_indirect_dma source(%dma_start3A_214 : memref<256000x768xf32, #tpu.memory_space<hbm>>) target(%dma_start3A_208 : memref<16x768xf32, #tpu.memory_space<vmem>>) offsets(%dma_start3A_211 : memref<16xi32, #tpu.memory_space<vmem>>) semaphore(%arg9 : memref<!tpu.dma_semaphore, #tpu.memory_space<semaphore_mem>>)
      } else {
      }
      %lt3A_116 = arith.constant 128 : i32
      %lt3A_117 = arith.cmpi slt, %add3A_95, %lt3A_116 : i32
      %convert_element_type3A_118 = arith.extui %lt3A_117 : i1 to i32
      %cond3A_119 = arith.constant 0 : i32
      %cond3A_120 = arith.cmpi ne, %convert_element_type3A_118, %cond3A_119 : i32
      scf.if %cond3A_120 {
        %jit3A = arith.constant 4 : i32
        %eq3A = arith.constant 0 : i32
        %eq3A_202 = arith.cmpi eq, %jit3A, %eq3A : i32
        %jit3A_203 = arith.constant 1 : i32
        %select_n3A = arith.select %eq3A_202, %jit3A_203, %jit3A : i32
        %rem3A = arith.remsi %add3A_95, %select_n3A : i32
        %ne3A = arith.constant 0 : i32
        %ne3A_204 = arith.cmpi ne, %rem3A, %ne3A : i32
        %lt3A_205 = arith.constant 0 : i32
        %lt3A_206 = arith.cmpi slt, %rem3A, %lt3A_205 : i32
        %lt3A_207 = arith.constant 0 : i32
        %lt3A_208 = arith.cmpi slt, %select_n3A, %lt3A_207 : i32
        %ne3A_209 = arith.xori %lt3A_206, %lt3A_208 : i1
        %and3A_210 = arith.andi %ne3A_209, %ne3A_204 : i1
        %add3A_211 = arith.addi %rem3A, %select_n3A : i32
        %select_n3A_212 = arith.select %and3A_210, %add3A_211, %rem3A : i32
        %mul3A_213 = arith.constant 16 : i32
        %mul3A_214 = arith.muli %select_n3A_212, %mul3A_213 : i32
        %parallel_loop3A = arith.constant 0 : i32
        %parallel_loop3A_215 = arith.constant 16 : i32
        %parallel_loop3A_216 = arith.constant 1 : i32
        scf.for %parallel_loop3A_233 = %parallel_loop3A to %parallel_loop3A_215 step %parallel_loop3A_216  : i32 {
          %parallel_loop3A_234 = arith.constant 0 : i32
          %parallel_loop3A_235 = arith.constant 48 : i32
          %parallel_loop3A_236 = arith.constant 1 : i32
          scf.for %parallel_loop3A_237 = %parallel_loop3A_234 to %parallel_loop3A_235 step %parallel_loop3A_236  : i32 {
            %parallel_loop3A_238 = arith.addi %mul3A_214, %parallel_loop3A_233 : i32
            %parallel_loop3A_239 = arith.constant 16 : i32
            %parallel_loop3A_240 = arith.muli %parallel_loop3A_237, %parallel_loop3A_239 : i32
            %parallel_loop3A_241 = arith.index_cast %parallel_loop3A_238 : i32 to index
            %parallel_loop3A_242 = arith.index_cast %parallel_loop3A_240 : i32 to index
            %parallel_loop3A_243 = tpu.vector_load %arg7[%parallel_loop3A_241, %parallel_loop3A_242] {strides = array<i32>} : memref<64x768xf32, #tpu.memory_space<vmem>>, vector<1x16xf32>,
            %parallel_loop3A_244 = vector.shape_cast %parallel_loop3A_243 : vector<1x16xf32> to vector<16xf32>
            %parallel_loop3A_245 = arith.constant 16 : i32
            %parallel_loop3A_246 = arith.muli %parallel_loop3A_237, %parallel_loop3A_245 : i32
            %parallel_loop3A_247 = arith.constant 1 : i32
            %parallel_loop3A_248 = arith.index_cast %parallel_loop3A_247 : i32 to index
            %parallel_loop3A_249 = arith.index_cast %parallel_loop3A_233 : i32 to index
            %parallel_loop3A_250 = arith.index_cast %parallel_loop3A_246 : i32 to index
            %parallel_loop3A_251 = tpu.vector_load %arg8[%parallel_loop3A_248, %parallel_loop3A_249, %parallel_loop3A_250] {strides = array<i32>} : memref<5x16x768xf32, #tpu.memory_space<vmem>>, vector<1x1x16xf32>,
            %parallel_loop3A_252 = vector.shape_cast %parallel_loop3A_251 : vector<1x1x16xf32> to vector<16xf32>
            %parallel_loop3A_253 = vector.shape_cast %parallel_loop3A_244 : vector<16xf32> to vector<1x1x16xf32>
            tpu.vector_store %arg8[%parallel_loop3A_248, %parallel_loop3A_249, %parallel_loop3A_250], %parallel_loop3A_253 {add = true, strides = array<i32>} : memref<5x16x768xf32, #tpu.memory_space<vmem>>, vector<1x1x16xf32>,
          } {sc.loop_unroll_factor = 8 : i64, sc.parallel_access}
        } {sc.loop_unroll_factor = 1 : i64, sc.parallel_access}
        %mul3A_217 = arith.constant 16 : i32
        %mul3A_218 = arith.muli %add3A_95, %mul3A_217 : i32
        %add3A_219 = arith.addi %mul3A_2, %mul3A_218 : i32
        %dma_start3A_220 = arith.constant 1 : i32
        %dma_start3A_221 = arith.constant 0 : i32
        %dma_start3A_222 = arith.constant 0 : i32
        %dma_start3A_223 = tpu.memref_slice %arg8[%dma_start3A_220, %dma_start3A_221, %dma_start3A_222] : memref<5x16x768xf32, #tpu.memory_space<vmem>> -> memref<1x16x768xf32, #tpu.memory_space<vmem>>
        %dma_start3A_224 = tpu.memref_squeeze %dma_start3A_223 : memref<1x16x768xf32, #tpu.memory_space<vmem>> -> memref<16x768xf32, #tpu.memory_space<vmem>>
        %dma_start3A_225 = arith.constant 0 : i32
        %dma_start3A_226 = tpu.memref_slice %arg5[%add3A_219, %dma_start3A_225] : memref<65536x768xf32, #tpu.memory_space<hbm>> -> memref<16x768xf32, #tpu.memory_space<hbm>>
        %dma_start3A_227 = arith.constant 0 : i32
        %dma_start3A_228 = tpu.memref_slice %arg5[%add3A_219, %dma_start3A_227] : memref<65536x768xf32, #tpu.memory_space<hbm>> -> memref<16x768xf32, #tpu.memory_space<hbm>>
        %dma_start3A_229 = arith.constant 0 : i32
        %dma_start3A_230 = arith.constant 0 : i32
        %dma_start3A_231 = tpu.memref_slice %arg8[%dma_start3A_220, %dma_start3A_229, %dma_start3A_230] : memref<5x16x768xf32, #tpu.memory_space<vmem>> -> memref<1x16x768xf32, #tpu.memory_space<vmem>>
        %dma_start3A_232 = tpu.memref_squeeze %dma_start3A_231 : memref<1x16x768xf32, #tpu.memory_space<vmem>> -> memref<16x768xf32, #tpu.memory_space<vmem>>
        tpu.enqueue_dma source(%dma_start3A_232 : memref<16x768xf32, #tpu.memory_space<vmem>>) target(%dma_start3A_228 : memref<16x768xf32, #tpu.memory_space<hbm>>) target_semaphore(%arg10 : memref<!tpu.dma_semaphore, #tpu.memory_space<semaphore_mem>>)
      } else {
      }
      %add3A_121 = arith.constant 2 : i32
      %add3A_122 = arith.addi %add3A_71, %add3A_121 : i32
      %lt3A_123 = arith.constant 128 : i32
      %lt3A_124 = arith.cmpi slt, %add3A_122, %lt3A_123 : i32
      %convert_element_type3A_125 = arith.extui %lt3A_124 : i1 to i32
      %cond3A_126 = arith.constant 0 : i32
      %cond3A_127 = arith.cmpi ne, %convert_element_type3A_125, %cond3A_126 : i32
      scf.if %cond3A_127 {
        %dma_wait3A_202 = arith.constant 2 : i32
        %dma_wait3A_203 = arith.constant 0 : i32
        %dma_wait3A_204 = arith.constant 0 : i32
        %dma_wait3A_205 = tpu.memref_slice %arg8[%dma_wait3A_202, %dma_wait3A_203, %dma_wait3A_204] : memref<5x16x768xf32, #tpu.memory_space<vmem>> -> memref<1x16x768xf32, #tpu.memory_space<vmem>>
        %dma_wait3A_206 = tpu.memref_squeeze %dma_wait3A_205 : memref<1x16x768xf32, #tpu.memory_space<vmem>> -> memref<16x768xf32, #tpu.memory_space<vmem>>
        %dma_wait3A_207 = arith.constant 0 : i32
        %dma_wait3A_208 = tpu.memref_slice %arg6[%add3A_122, %dma_wait3A_207] : memref<128x16xi32, #tpu.memory_space<vmem>> -> memref<1x16xi32, #tpu.memory_space<vmem>>
        %dma_wait3A_209 = tpu.memref_squeeze %dma_wait3A_208 : memref<1x16xi32, #tpu.memory_space<vmem>> -> memref<16xi32, #tpu.memory_space<vmem>>
        %dma_wait3A_210 = arith.constant 0 : i32
        %dma_wait3A_211 = arith.constant 0 : i32
        %dma_wait3A_212 = tpu.memref_slice %arg3[%dma_wait3A_210, %dma_wait3A_211] : memref<256000x768xf32, #tpu.memory_space<hbm>> -> memref<256000x768xf32, #tpu.memory_space<hbm>>
        tpu.wait_indirect_dma semaphore(%arg9 : memref<!tpu.dma_semaphore, #tpu.memory_space<semaphore_mem>>) src(%dma_wait3A_212 : memref<256000x768xf32, #tpu.memory_space<hbm>>) dst(%dma_wait3A_206 : memref<16x768xf32, #tpu.memory_space<vmem>>)
      } else {
      }
      %ge3A_128 = arith.constant 2 : i32
      %ge3A_129 = arith.cmpi sge, %add3A_122, %ge3A_128 : i32
      %lt3A_130 = arith.constant 128 : i32
      %lt3A_131 = arith.cmpi slt, %add3A_122, %lt3A_130 : i32
      %and3A_132 = arith.andi %ge3A_129, %lt3A_131 : i1
      %convert_element_type3A_133 = arith.extui %and3A_132 : i1 to i32
      %cond3A_134 = arith.constant 0 : i32
      %cond3A_135 = arith.cmpi ne, %convert_element_type3A_133, %cond3A_134 : i32
      scf.if %cond3A_135 {
        %dma_wait3A_202 = arith.constant 2 : i32
        %dma_wait3A_203 = arith.constant 0 : i32
        %dma_wait3A_204 = arith.constant 0 : i32
        %dma_wait3A_205 = tpu.memref_slice %arg8[%dma_wait3A_202, %dma_wait3A_203, %dma_wait3A_204] : memref<5x16x768xf32, #tpu.memory_space<vmem>> -> memref<1x16x768xf32, #tpu.memory_space<vmem>>
        %dma_wait3A_206 = tpu.memref_squeeze %dma_wait3A_205 : memref<1x16x768xf32, #tpu.memory_space<vmem>> -> memref<16x768xf32, #tpu.memory_space<vmem>>
        %dma_wait3A_207 = arith.constant 0 : i32
        %dma_wait3A_208 = tpu.memref_slice %arg5[%mul3A_2, %dma_wait3A_207] : memref<65536x768xf32, #tpu.memory_space<hbm>> -> memref<16x768xf32, #tpu.memory_space<hbm>>
        %dma_wait3A_209 = arith.constant 0 : i32
        %dma_wait3A_210 = tpu.memref_slice %arg5[%mul3A_2, %dma_wait3A_209] : memref<65536x768xf32, #tpu.memory_space<hbm>> -> memref<16x768xf32, #tpu.memory_space<hbm>>
        %dma_wait3A_211 = arith.constant 0 : i32
        %dma_wait3A_212 = arith.constant 0 : i32
        %dma_wait3A_213 = tpu.memref_slice %arg8[%dma_wait3A_202, %dma_wait3A_211, %dma_wait3A_212] : memref<5x16x768xf32, #tpu.memory_space<vmem>> -> memref<1x16x768xf32, #tpu.memory_space<vmem>>
        %dma_wait3A_214 = tpu.memref_squeeze %dma_wait3A_213 : memref<1x16x768xf32, #tpu.memory_space<vmem>> -> memref<16x768xf32, #tpu.memory_space<vmem>>
        tpu.wait_dma2 semaphore(%arg10 : memref<!tpu.dma_semaphore, #tpu.memory_space<semaphore_mem>>) src(%dma_wait3A_214 : memref<16x768xf32, #tpu.memory_space<vmem>>) dst(%dma_wait3A_210 : memref<16x768xf32, #tpu.memory_space<hbm>>)
      } else {
      }
      %add3A_136 = arith.constant 3 : i32
      %add3A_137 = arith.addi %add3A_122, %add3A_136 : i32
      %lt3A_138 = arith.constant 128 : i32
      %lt3A_139 = arith.cmpi slt, %add3A_137, %lt3A_138 : i32
      %convert_element_type3A_140 = arith.extui %lt3A_139 : i1 to i32
      %cond3A_141 = arith.constant 0 : i32
      %cond3A_142 = arith.cmpi ne, %convert_element_type3A_140, %cond3A_141 : i32
      scf.if %cond3A_142 {
        %add3A_202 = arith.constant 3 : i32
        %add3A_203 = arith.addi %add3A_122, %add3A_202 : i32
        %dma_start3A_204 = arith.constant 0 : i32
        %dma_start3A_205 = arith.constant 0 : i32
        %dma_start3A_206 = arith.constant 0 : i32
        %dma_start3A_207 = tpu.memref_slice %arg8[%dma_start3A_204, %dma_start3A_205, %dma_start3A_206] : memref<5x16x768xf32, #tpu.memory_space<vmem>> -> memref<1x16x768xf32, #tpu.memory_space<vmem>>
        %dma_start3A_208 = tpu.memref_squeeze %dma_start3A_207 : memref<1x16x768xf32, #tpu.memory_space<vmem>> -> memref<16x768xf32, #tpu.memory_space<vmem>>
        %dma_start3A_209 = arith.constant 0 : i32
        %dma_start3A_210 = tpu.memref_slice %arg6[%add3A_203, %dma_start3A_209] : memref<128x16xi32, #tpu.memory_space<vmem>> -> memref<1x16xi32, #tpu.memory_space<vmem>>
        %dma_start3A_211 = tpu.memref_squeeze %dma_start3A_210 : memref<1x16xi32, #tpu.memory_space<vmem>> -> memref<16xi32, #tpu.memory_space<vmem>>
        %dma_start3A_212 = arith.constant 0 : i32
        %dma_start3A_213 = arith.constant 0 : i32
        %dma_start3A_214 = tpu.memref_slice %arg3[%dma_start3A_212, %dma_start3A_213] : memref<256000x768xf32, #tpu.memory_space<hbm>> -> memref<256000x768xf32, #tpu.memory_space<hbm>>
        tpu.enqueue_indirect_dma source(%dma_start3A_214 : memref<256000x768xf32, #tpu.memory_space<hbm>>) target(%dma_start3A_208 : memref<16x768xf32, #tpu.memory_space<vmem>>) offsets(%dma_start3A_211 : memref<16xi32, #tpu.memory_space<vmem>>) semaphore(%arg9 : memref<!tpu.dma_semaphore, #tpu.memory_space<semaphore_mem>>)
      } else {
      }
      %lt3A_143 = arith.constant 128 : i32
      %lt3A_144 = arith.cmpi slt, %add3A_122, %lt3A_143 : i32
      %convert_element_type3A_145 = arith.extui %lt3A_144 : i1 to i32
      %cond3A_146 = arith.constant 0 : i32
      %cond3A_147 = arith.cmpi ne, %convert_element_type3A_145, %cond3A_146 : i32
      scf.if %cond3A_147 {
        %jit3A = arith.constant 4 : i32
        %eq3A = arith.constant 0 : i32
        %eq3A_202 = arith.cmpi eq, %jit3A, %eq3A : i32
        %jit3A_203 = arith.constant 1 : i32
        %select_n3A = arith.select %eq3A_202, %jit3A_203, %jit3A : i32
        %rem3A = arith.remsi %add3A_122, %select_n3A : i32
        %ne3A = arith.constant 0 : i32
        %ne3A_204 = arith.cmpi ne, %rem3A, %ne3A : i32
        %lt3A_205 = arith.constant 0 : i32
        %lt3A_206 = arith.cmpi slt, %rem3A, %lt3A_205 : i32
        %lt3A_207 = arith.constant 0 : i32
        %lt3A_208 = arith.cmpi slt, %select_n3A, %lt3A_207 : i32
        %ne3A_209 = arith.xori %lt3A_206, %lt3A_208 : i1
        %and3A_210 = arith.andi %ne3A_209, %ne3A_204 : i1
        %add3A_211 = arith.addi %rem3A, %select_n3A : i32
        %select_n3A_212 = arith.select %and3A_210, %add3A_211, %rem3A : i32
        %mul3A_213 = arith.constant 16 : i32
        %mul3A_214 = arith.muli %select_n3A_212, %mul3A_213 : i32
        %parallel_loop3A = arith.constant 0 : i32
        %parallel_loop3A_215 = arith.constant 16 : i32
        %parallel_loop3A_216 = arith.constant 1 : i32
        scf.for %parallel_loop3A_233 = %parallel_loop3A to %parallel_loop3A_215 step %parallel_loop3A_216  : i32 {
          %parallel_loop3A_234 = arith.constant 0 : i32
          %parallel_loop3A_235 = arith.constant 48 : i32
          %parallel_loop3A_236 = arith.constant 1 : i32
          scf.for %parallel_loop3A_237 = %parallel_loop3A_234 to %parallel_loop3A_235 step %parallel_loop3A_236  : i32 {
            %parallel_loop3A_238 = arith.addi %mul3A_214, %parallel_loop3A_233 : i32
            %parallel_loop3A_239 = arith.constant 16 : i32
            %parallel_loop3A_240 = arith.muli %parallel_loop3A_237, %parallel_loop3A_239 : i32
            %parallel_loop3A_241 = arith.index_cast %parallel_loop3A_238 : i32 to index
            %parallel_loop3A_242 = arith.index_cast %parallel_loop3A_240 : i32 to index
            %parallel_loop3A_243 = tpu.vector_load %arg7[%parallel_loop3A_241, %parallel_loop3A_242] {strides = array<i32>} : memref<64x768xf32, #tpu.memory_space<vmem>>, vector<1x16xf32>,
            %parallel_loop3A_244 = vector.shape_cast %parallel_loop3A_243 : vector<1x16xf32> to vector<16xf32>
            %parallel_loop3A_245 = arith.constant 16 : i32
            %parallel_loop3A_246 = arith.muli %parallel_loop3A_237, %parallel_loop3A_245 : i32
            %parallel_loop3A_247 = arith.constant 2 : i32
            %parallel_loop3A_248 = arith.index_cast %parallel_loop3A_247 : i32 to index
            %parallel_loop3A_249 = arith.index_cast %parallel_loop3A_233 : i32 to index
            %parallel_loop3A_250 = arith.index_cast %parallel_loop3A_246 : i32 to index
            %parallel_loop3A_251 = tpu.vector_load %arg8[%parallel_loop3A_248, %parallel_loop3A_249, %parallel_loop3A_250] {strides = array<i32>} : memref<5x16x768xf32, #tpu.memory_space<vmem>>, vector<1x1x16xf32>,
            %parallel_loop3A_252 = vector.shape_cast %parallel_loop3A_251 : vector<1x1x16xf32> to vector<16xf32>
            %parallel_loop3A_253 = vector.shape_cast %parallel_loop3A_244 : vector<16xf32> to vector<1x1x16xf32>
            tpu.vector_store %arg8[%parallel_loop3A_248, %parallel_loop3A_249, %parallel_loop3A_250], %parallel_loop3A_253 {add = true, strides = array<i32>} : memref<5x16x768xf32, #tpu.memory_space<vmem>>, vector<1x1x16xf32>,
          } {sc.loop_unroll_factor = 8 : i64, sc.parallel_access}
        } {sc.loop_unroll_factor = 1 : i64, sc.parallel_access}
        %mul3A_217 = arith.constant 16 : i32
        %mul3A_218 = arith.muli %add3A_122, %mul3A_217 : i32
        %add3A_219 = arith.addi %mul3A_2, %mul3A_218 : i32
        %dma_start3A_220 = arith.constant 2 : i32
        %dma_start3A_221 = arith.constant 0 : i32
        %dma_start3A_222 = arith.constant 0 : i32
        %dma_start3A_223 = tpu.memref_slice %arg8[%dma_start3A_220, %dma_start3A_221, %dma_start3A_222] : memref<5x16x768xf32, #tpu.memory_space<vmem>> -> memref<1x16x768xf32, #tpu.memory_space<vmem>>
        %dma_start3A_224 = tpu.memref_squeeze %dma_start3A_223 : memref<1x16x768xf32, #tpu.memory_space<vmem>> -> memref<16x768xf32, #tpu.memory_space<vmem>>
        %dma_start3A_225 = arith.constant 0 : i32
        %dma_start3A_226 = tpu.memref_slice %arg5[%add3A_219, %dma_start3A_225] : memref<65536x768xf32, #tpu.memory_space<hbm>> -> memref<16x768xf32, #tpu.memory_space<hbm>>
        %dma_start3A_227 = arith.constant 0 : i32
        %dma_start3A_228 = tpu.memref_slice %arg5[%add3A_219, %dma_start3A_227] : memref<65536x768xf32, #tpu.memory_space<hbm>> -> memref<16x768xf32, #tpu.memory_space<hbm>>
        %dma_start3A_229 = arith.constant 0 : i32
        %dma_start3A_230 = arith.constant 0 : i32
        %dma_start3A_231 = tpu.memref_slice %arg8[%dma_start3A_220, %dma_start3A_229, %dma_start3A_230] : memref<5x16x768xf32, #tpu.memory_space<vmem>> -> memref<1x16x768xf32, #tpu.memory_space<vmem>>
        %dma_start3A_232 = tpu.memref_squeeze %dma_start3A_231 : memref<1x16x768xf32, #tpu.memory_space<vmem>> -> memref<16x768xf32, #tpu.memory_space<vmem>>
        tpu.enqueue_dma source(%dma_start3A_232 : memref<16x768xf32, #tpu.memory_space<vmem>>) target(%dma_start3A_228 : memref<16x768xf32, #tpu.memory_space<hbm>>) target_semaphore(%arg10 : memref<!tpu.dma_semaphore, #tpu.memory_space<semaphore_mem>>)
      } else {
      }
      %add3A_148 = arith.constant 3 : i32
      %add3A_149 = arith.addi %add3A_71, %add3A_148 : i32
      %lt3A_150 = arith.constant 128 : i32
      %lt3A_151 = arith.cmpi slt, %add3A_149, %lt3A_150 : i32
      %convert_element_type3A_152 = arith.extui %lt3A_151 : i1 to i32
      %cond3A_153 = arith.constant 0 : i32
      %cond3A_154 = arith.cmpi ne, %convert_element_type3A_152, %cond3A_153 : i32
      scf.if %cond3A_154 {
        %dma_wait3A_202 = arith.constant 3 : i32
        %dma_wait3A_203 = arith.constant 0 : i32
        %dma_wait3A_204 = arith.constant 0 : i32
        %dma_wait3A_205 = tpu.memref_slice %arg8[%dma_wait3A_202, %dma_wait3A_203, %dma_wait3A_204] : memref<5x16x768xf32, #tpu.memory_space<vmem>> -> memref<1x16x768xf32, #tpu.memory_space<vmem>>
        %dma_wait3A_206 = tpu.memref_squeeze %dma_wait3A_205 : memref<1x16x768xf32, #tpu.memory_space<vmem>> -> memref<16x768xf32, #tpu.memory_space<vmem>>
        %dma_wait3A_207 = arith.constant 0 : i32
        %dma_wait3A_208 = tpu.memref_slice %arg6[%add3A_149, %dma_wait3A_207] : memref<128x16xi32, #tpu.memory_space<vmem>> -> memref<1x16xi32, #tpu.memory_space<vmem>>
        %dma_wait3A_209 = tpu.memref_squeeze %dma_wait3A_208 : memref<1x16xi32, #tpu.memory_space<vmem>> -> memref<16xi32, #tpu.memory_space<vmem>>
        %dma_wait3A_210 = arith.constant 0 : i32
        %dma_wait3A_211 = arith.constant 0 : i32
        %dma_wait3A_212 = tpu.memref_slice %arg3[%dma_wait3A_210, %dma_wait3A_211] : memref<256000x768xf32, #tpu.memory_space<hbm>> -> memref<256000x768xf32, #tpu.memory_space<hbm>>
        tpu.wait_indirect_dma semaphore(%arg9 : memref<!tpu.dma_semaphore, #tpu.memory_space<semaphore_mem>>) src(%dma_wait3A_212 : memref<256000x768xf32, #tpu.memory_space<hbm>>) dst(%dma_wait3A_206 : memref<16x768xf32, #tpu.memory_space<vmem>>)
      } else {
      }
      %ge3A_155 = arith.constant 2 : i32
      %ge3A_156 = arith.cmpi sge, %add3A_149, %ge3A_155 : i32
      %lt3A_157 = arith.constant 128 : i32
      %lt3A_158 = arith.cmpi slt, %add3A_149, %lt3A_157 : i32
      %and3A_159 = arith.andi %ge3A_156, %lt3A_158 : i1
      %convert_element_type3A_160 = arith.extui %and3A_159 : i1 to i32
      %cond3A_161 = arith.constant 0 : i32
      %cond3A_162 = arith.cmpi ne, %convert_element_type3A_160, %cond3A_161 : i32
      scf.if %cond3A_162 {
        %dma_wait3A_202 = arith.constant 3 : i32
        %dma_wait3A_203 = arith.constant 0 : i32
        %dma_wait3A_204 = arith.constant 0 : i32
        %dma_wait3A_205 = tpu.memref_slice %arg8[%dma_wait3A_202, %dma_wait3A_203, %dma_wait3A_204] : memref<5x16x768xf32, #tpu.memory_space<vmem>> -> memref<1x16x768xf32, #tpu.memory_space<vmem>>
        %dma_wait3A_206 = tpu.memref_squeeze %dma_wait3A_205 : memref<1x16x768xf32, #tpu.memory_space<vmem>> -> memref<16x768xf32, #tpu.memory_space<vmem>>
        %dma_wait3A_207 = arith.constant 0 : i32
        %dma_wait3A_208 = tpu.memref_slice %arg5[%mul3A_2, %dma_wait3A_207] : memref<65536x768xf32, #tpu.memory_space<hbm>> -> memref<16x768xf32, #tpu.memory_space<hbm>>
        %dma_wait3A_209 = arith.constant 0 : i32
        %dma_wait3A_210 = tpu.memref_slice %arg5[%mul3A_2, %dma_wait3A_209] : memref<65536x768xf32, #tpu.memory_space<hbm>> -> memref<16x768xf32, #tpu.memory_space<hbm>>
        %dma_wait3A_211 = arith.constant 0 : i32
        %dma_wait3A_212 = arith.constant 0 : i32
        %dma_wait3A_213 = tpu.memref_slice %arg8[%dma_wait3A_202, %dma_wait3A_211, %dma_wait3A_212] : memref<5x16x768xf32, #tpu.memory_space<vmem>> -> memref<1x16x768xf32, #tpu.memory_space<vmem>>
        %dma_wait3A_214 = tpu.memref_squeeze %dma_wait3A_213 : memref<1x16x768xf32, #tpu.memory_space<vmem>> -> memref<16x768xf32, #tpu.memory_space<vmem>>
        tpu.wait_dma2 semaphore(%arg10 : memref<!tpu.dma_semaphore, #tpu.memory_space<semaphore_mem>>) src(%dma_wait3A_214 : memref<16x768xf32, #tpu.memory_space<vmem>>) dst(%dma_wait3A_210 : memref<16x768xf32, #tpu.memory_space<hbm>>)
      } else {
      }
      %add3A_163 = arith.constant 3 : i32
      %add3A_164 = arith.addi %add3A_149, %add3A_163 : i32
      %lt3A_165 = arith.constant 128 : i32
      %lt3A_166 = arith.cmpi slt, %add3A_164, %lt3A_165 : i32
      %convert_element_type3A_167 = arith.extui %lt3A_166 : i1 to i32
      %cond3A_168 = arith.constant 0 : i32
      %cond3A_169 = arith.cmpi ne, %convert_element_type3A_167, %cond3A_168 : i32
      scf.if %cond3A_169 {
        %add3A_202 = arith.constant 3 : i32
        %add3A_203 = arith.addi %add3A_149, %add3A_202 : i32
        %dma_start3A_204 = arith.constant 1 : i32
        %dma_start3A_205 = arith.constant 0 : i32
        %dma_start3A_206 = arith.constant 0 : i32
        %dma_start3A_207 = tpu.memref_slice %arg8[%dma_start3A_204, %dma_start3A_205, %dma_start3A_206] : memref<5x16x768xf32, #tpu.memory_space<vmem>> -> memref<1x16x768xf32, #tpu.memory_space<vmem>>
        %dma_start3A_208 = tpu.memref_squeeze %dma_start3A_207 : memref<1x16x768xf32, #tpu.memory_space<vmem>> -> memref<16x768xf32, #tpu.memory_space<vmem>>
        %dma_start3A_209 = arith.constant 0 : i32
        %dma_start3A_210 = tpu.memref_slice %arg6[%add3A_203, %dma_start3A_209] : memref<128x16xi32, #tpu.memory_space<vmem>> -> memref<1x16xi32, #tpu.memory_space<vmem>>
        %dma_start3A_211 = tpu.memref_squeeze %dma_start3A_210 : memref<1x16xi32, #tpu.memory_space<vmem>> -> memref<16xi32, #tpu.memory_space<vmem>>
        %dma_start3A_212 = arith.constant 0 : i32
        %dma_start3A_213 = arith.constant 0 : i32
        %dma_start3A_214 = tpu.memref_slice %arg3[%dma_start3A_212, %dma_start3A_213] : memref<256000x768xf32, #tpu.memory_space<hbm>> -> memref<256000x768xf32, #tpu.memory_space<hbm>>
        tpu.enqueue_indirect_dma source(%dma_start3A_214 : memref<256000x768xf32, #tpu.memory_space<hbm>>) target(%dma_start3A_208 : memref<16x768xf32, #tpu.memory_space<vmem>>) offsets(%dma_start3A_211 : memref<16xi32, #tpu.memory_space<vmem>>) semaphore(%arg9 : memref<!tpu.dma_semaphore, #tpu.memory_space<semaphore_mem>>)
      } else {
      }
      %lt3A_170 = arith.constant 128 : i32
      %lt3A_171 = arith.cmpi slt, %add3A_149, %lt3A_170 : i32
      %convert_element_type3A_172 = arith.extui %lt3A_171 : i1 to i32
      %cond3A_173 = arith.constant 0 : i32
      %cond3A_174 = arith.cmpi ne, %convert_element_type3A_172, %cond3A_173 : i32
      scf.if %cond3A_174 {
        %jit3A = arith.constant 4 : i32
        %eq3A = arith.constant 0 : i32
        %eq3A_202 = arith.cmpi eq, %jit3A, %eq3A : i32
        %jit3A_203 = arith.constant 1 : i32
        %select_n3A = arith.select %eq3A_202, %jit3A_203, %jit3A : i32
        %rem3A = arith.remsi %add3A_149, %select_n3A : i32
        %ne3A = arith.constant 0 : i32
        %ne3A_204 = arith.cmpi ne, %rem3A, %ne3A : i32
        %lt3A_205 = arith.constant 0 : i32
        %lt3A_206 = arith.cmpi slt, %rem3A, %lt3A_205 : i32
        %lt3A_207 = arith.constant 0 : i32
        %lt3A_208 = arith.cmpi slt, %select_n3A, %lt3A_207 : i32
        %ne3A_209 = arith.xori %lt3A_206, %lt3A_208 : i1
        %and3A_210 = arith.andi %ne3A_209, %ne3A_204 : i1
        %add3A_211 = arith.addi %rem3A, %select_n3A : i32
        %select_n3A_212 = arith.select %and3A_210, %add3A_211, %rem3A : i32
        %mul3A_213 = arith.constant 16 : i32
        %mul3A_214 = arith.muli %select_n3A_212, %mul3A_213 : i32
        %parallel_loop3A = arith.constant 0 : i32
        %parallel_loop3A_215 = arith.constant 16 : i32
        %parallel_loop3A_216 = arith.constant 1 : i32
        scf.for %parallel_loop3A_233 = %parallel_loop3A to %parallel_loop3A_215 step %parallel_loop3A_216  : i32 {
          %parallel_loop3A_234 = arith.constant 0 : i32
          %parallel_loop3A_235 = arith.constant 48 : i32
          %parallel_loop3A_236 = arith.constant 1 : i32
          scf.for %parallel_loop3A_237 = %parallel_loop3A_234 to %parallel_loop3A_235 step %parallel_loop3A_236  : i32 {
            %parallel_loop3A_238 = arith.addi %mul3A_214, %parallel_loop3A_233 : i32
            %parallel_loop3A_239 = arith.constant 16 : i32
            %parallel_loop3A_240 = arith.muli %parallel_loop3A_237, %parallel_loop3A_239 : i32
            %parallel_loop3A_241 = arith.index_cast %parallel_loop3A_238 : i32 to index
            %parallel_loop3A_242 = arith.index_cast %parallel_loop3A_240 : i32 to index
            %parallel_loop3A_243 = tpu.vector_load %arg7[%parallel_loop3A_241, %parallel_loop3A_242] {strides = array<i32>} : memref<64x768xf32, #tpu.memory_space<vmem>>, vector<1x16xf32>,
            %parallel_loop3A_244 = vector.shape_cast %parallel_loop3A_243 : vector<1x16xf32> to vector<16xf32>
            %parallel_loop3A_245 = arith.constant 16 : i32
            %parallel_loop3A_246 = arith.muli %parallel_loop3A_237, %parallel_loop3A_245 : i32
            %parallel_loop3A_247 = arith.constant 3 : i32
            %parallel_loop3A_248 = arith.index_cast %parallel_loop3A_247 : i32 to index
            %parallel_loop3A_249 = arith.index_cast %parallel_loop3A_233 : i32 to index
            %parallel_loop3A_250 = arith.index_cast %parallel_loop3A_246 : i32 to index
            %parallel_loop3A_251 = tpu.vector_load %arg8[%parallel_loop3A_248, %parallel_loop3A_249, %parallel_loop3A_250] {strides = array<i32>} : memref<5x16x768xf32, #tpu.memory_space<vmem>>, vector<1x1x16xf32>,
            %parallel_loop3A_252 = vector.shape_cast %parallel_loop3A_251 : vector<1x1x16xf32> to vector<16xf32>
            %parallel_loop3A_253 = vector.shape_cast %parallel_loop3A_244 : vector<16xf32> to vector<1x1x16xf32>
            tpu.vector_store %arg8[%parallel_loop3A_248, %parallel_loop3A_249, %parallel_loop3A_250], %parallel_loop3A_253 {add = true, strides = array<i32>} : memref<5x16x768xf32, #tpu.memory_space<vmem>>, vector<1x1x16xf32>,
          } {sc.loop_unroll_factor = 8 : i64, sc.parallel_access}
        } {sc.loop_unroll_factor = 1 : i64, sc.parallel_access}
        %mul3A_217 = arith.constant 16 : i32
        %mul3A_218 = arith.muli %add3A_149, %mul3A_217 : i32
        %add3A_219 = arith.addi %mul3A_2, %mul3A_218 : i32
        %dma_start3A_220 = arith.constant 3 : i32
        %dma_start3A_221 = arith.constant 0 : i32
        %dma_start3A_222 = arith.constant 0 : i32
        %dma_start3A_223 = tpu.memref_slice %arg8[%dma_start3A_220, %dma_start3A_221, %dma_start3A_222] : memref<5x16x768xf32, #tpu.memory_space<vmem>> -> memref<1x16x768xf32, #tpu.memory_space<vmem>>
        %dma_start3A_224 = tpu.memref_squeeze %dma_start3A_223 : memref<1x16x768xf32, #tpu.memory_space<vmem>> -> memref<16x768xf32, #tpu.memory_space<vmem>>
        %dma_start3A_225 = arith.constant 0 : i32
        %dma_start3A_226 = tpu.memref_slice %arg5[%add3A_219, %dma_start3A_225] : memref<65536x768xf32, #tpu.memory_space<hbm>> -> memref<16x768xf32, #tpu.memory_space<hbm>>
        %dma_start3A_227 = arith.constant 0 : i32
        %dma_start3A_228 = tpu.memref_slice %arg5[%add3A_219, %dma_start3A_227] : memref<65536x768xf32, #tpu.memory_space<hbm>> -> memref<16x768xf32, #tpu.memory_space<hbm>>
        %dma_start3A_229 = arith.constant 0 : i32
        %dma_start3A_230 = arith.constant 0 : i32
        %dma_start3A_231 = tpu.memref_slice %arg8[%dma_start3A_220, %dma_start3A_229, %dma_start3A_230] : memref<5x16x768xf32, #tpu.memory_space<vmem>> -> memref<1x16x768xf32, #tpu.memory_space<vmem>>
        %dma_start3A_232 = tpu.memref_squeeze %dma_start3A_231 : memref<1x16x768xf32, #tpu.memory_space<vmem>> -> memref<16x768xf32, #tpu.memory_space<vmem>>
        tpu.enqueue_dma source(%dma_start3A_232 : memref<16x768xf32, #tpu.memory_space<vmem>>) target(%dma_start3A_228 : memref<16x768xf32, #tpu.memory_space<hbm>>) target_semaphore(%arg10 : memref<!tpu.dma_semaphore, #tpu.memory_space<semaphore_mem>>)
      } else {
      }
      %add3A_175 = arith.constant 4 : i32
      %add3A_176 = arith.addi %add3A_71, %add3A_175 : i32
      %lt3A_177 = arith.constant 128 : i32
      %lt3A_178 = arith.cmpi slt, %add3A_176, %lt3A_177 : i32
      %convert_element_type3A_179 = arith.extui %lt3A_178 : i1 to i32
      %cond3A_180 = arith.constant 0 : i32
      %cond3A_181 = arith.cmpi ne, %convert_element_type3A_179, %cond3A_180 : i32
      scf.if %cond3A_181 {
        %dma_wait3A_202 = arith.constant 4 : i32
        %dma_wait3A_203 = arith.constant 0 : i32
        %dma_wait3A_204 = arith.constant 0 : i32
        %dma_wait3A_205 = tpu.memref_slice %arg8[%dma_wait3A_202, %dma_wait3A_203, %dma_wait3A_204] : memref<5x16x768xf32, #tpu.memory_space<vmem>> -> memref<1x16x768xf32, #tpu.memory_space<vmem>>
        %dma_wait3A_206 = tpu.memref_squeeze %dma_wait3A_205 : memref<1x16x768xf32, #tpu.memory_space<vmem>> -> memref<16x768xf32, #tpu.memory_space<vmem>>
        %dma_wait3A_207 = arith.constant 0 : i32
        %dma_wait3A_208 = tpu.memref_slice %arg6[%add3A_176, %dma_wait3A_207] : memref<128x16xi32, #tpu.memory_space<vmem>> -> memref<1x16xi32, #tpu.memory_space<vmem>>
        %dma_wait3A_209 = tpu.memref_squeeze %dma_wait3A_208 : memref<1x16xi32, #tpu.memory_space<vmem>> -> memref<16xi32, #tpu.memory_space<vmem>>
        %dma_wait3A_210 = arith.constant 0 : i32
        %dma_wait3A_211 = arith.constant 0 : i32
        %dma_wait3A_212 = tpu.memref_slice %arg3[%dma_wait3A_210, %dma_wait3A_211] : memref<256000x768xf32, #tpu.memory_space<hbm>> -> memref<256000x768xf32, #tpu.memory_space<hbm>>
        tpu.wait_indirect_dma semaphore(%arg9 : memref<!tpu.dma_semaphore, #tpu.memory_space<semaphore_mem>>) src(%dma_wait3A_212 : memref<256000x768xf32, #tpu.memory_space<hbm>>) dst(%dma_wait3A_206 : memref<16x768xf32, #tpu.memory_space<vmem>>)
      } else {
      }
      %ge3A_182 = arith.constant 2 : i32
      %ge3A_183 = arith.cmpi sge, %add3A_176, %ge3A_182 : i32
      %lt3A_184 = arith.constant 128 : i32
      %lt3A_185 = arith.cmpi slt, %add3A_176, %lt3A_184 : i32
      %and3A_186 = arith.andi %ge3A_183, %lt3A_185 : i1
      %convert_element_type3A_187 = arith.extui %and3A_186 : i1 to i32
      %cond3A_188 = arith.constant 0 : i32
      %cond3A_189 = arith.cmpi ne, %convert_element_type3A_187, %cond3A_188 : i32
      scf.if %cond3A_189 {
        %dma_wait3A_202 = arith.constant 4 : i32
        %dma_wait3A_203 = arith.constant 0 : i32
        %dma_wait3A_204 = arith.constant 0 : i32
        %dma_wait3A_205 = tpu.memref_slice %arg8[%dma_wait3A_202, %dma_wait3A_203, %dma_wait3A_204] : memref<5x16x768xf32, #tpu.memory_space<vmem>> -> memref<1x16x768xf32, #tpu.memory_space<vmem>>
        %dma_wait3A_206 = tpu.memref_squeeze %dma_wait3A_205 : memref<1x16x768xf32, #tpu.memory_space<vmem>> -> memref<16x768xf32, #tpu.memory_space<vmem>>
        %dma_wait3A_207 = arith.constant 0 : i32
        %dma_wait3A_208 = tpu.memref_slice %arg5[%mul3A_2, %dma_wait3A_207] : memref<65536x768xf32, #tpu.memory_space<hbm>> -> memref<16x768xf32, #tpu.memory_space<hbm>>
        %dma_wait3A_209 = arith.constant 0 : i32
        %dma_wait3A_210 = tpu.memref_slice %arg5[%mul3A_2, %dma_wait3A_209] : memref<65536x768xf32, #tpu.memory_space<hbm>> -> memref<16x768xf32, #tpu.memory_space<hbm>>
        %dma_wait3A_211 = arith.constant 0 : i32
        %dma_wait3A_212 = arith.constant 0 : i32
        %dma_wait3A_213 = tpu.memref_slice %arg8[%dma_wait3A_202, %dma_wait3A_211, %dma_wait3A_212] : memref<5x16x768xf32, #tpu.memory_space<vmem>> -> memref<1x16x768xf32, #tpu.memory_space<vmem>>
        %dma_wait3A_214 = tpu.memref_squeeze %dma_wait3A_213 : memref<1x16x768xf32, #tpu.memory_space<vmem>> -> memref<16x768xf32, #tpu.memory_space<vmem>>
        tpu.wait_dma2 semaphore(%arg10 : memref<!tpu.dma_semaphore, #tpu.memory_space<semaphore_mem>>) src(%dma_wait3A_214 : memref<16x768xf32, #tpu.memory_space<vmem>>) dst(%dma_wait3A_210 : memref<16x768xf32, #tpu.memory_space<hbm>>)
      } else {
      }
      %add3A_190 = arith.constant 3 : i32
      %add3A_191 = arith.addi %add3A_176, %add3A_190 : i32
      %lt3A_192 = arith.constant 128 : i32
      %lt3A_193 = arith.cmpi slt, %add3A_191, %lt3A_192 : i32
      %convert_element_type3A_194 = arith.extui %lt3A_193 : i1 to i32
      %cond3A_195 = arith.constant 0 : i32
      %cond3A_196 = arith.cmpi ne, %convert_element_type3A_194, %cond3A_195 : i32
      scf.if %cond3A_196 {
        %add3A_202 = arith.constant 3 : i32
        %add3A_203 = arith.addi %add3A_176, %add3A_202 : i32
        %dma_start3A_204 = arith.constant 2 : i32
        %dma_start3A_205 = arith.constant 0 : i32
        %dma_start3A_206 = arith.constant 0 : i32
        %dma_start3A_207 = tpu.memref_slice %arg8[%dma_start3A_204, %dma_start3A_205, %dma_start3A_206] : memref<5x16x768xf32, #tpu.memory_space<vmem>> -> memref<1x16x768xf32, #tpu.memory_space<vmem>>
        %dma_start3A_208 = tpu.memref_squeeze %dma_start3A_207 : memref<1x16x768xf32, #tpu.memory_space<vmem>> -> memref<16x768xf32, #tpu.memory_space<vmem>>
        %dma_start3A_209 = arith.constant 0 : i32
        %dma_start3A_210 = tpu.memref_slice %arg6[%add3A_203, %dma_start3A_209] : memref<128x16xi32, #tpu.memory_space<vmem>> -> memref<1x16xi32, #tpu.memory_space<vmem>>
        %dma_start3A_211 = tpu.memref_squeeze %dma_start3A_210 : memref<1x16xi32, #tpu.memory_space<vmem>> -> memref<16xi32, #tpu.memory_space<vmem>>
        %dma_start3A_212 = arith.constant 0 : i32
        %dma_start3A_213 = arith.constant 0 : i32
        %dma_start3A_214 = tpu.memref_slice %arg3[%dma_start3A_212, %dma_start3A_213] : memref<256000x768xf32, #tpu.memory_space<hbm>> -> memref<256000x768xf32, #tpu.memory_space<hbm>>
        tpu.enqueue_indirect_dma source(%dma_start3A_214 : memref<256000x768xf32, #tpu.memory_space<hbm>>) target(%dma_start3A_208 : memref<16x768xf32, #tpu.memory_space<vmem>>) offsets(%dma_start3A_211 : memref<16xi32, #tpu.memory_space<vmem>>) semaphore(%arg9 : memref<!tpu.dma_semaphore, #tpu.memory_space<semaphore_mem>>)
      } else {
      }
      %lt3A_197 = arith.constant 128 : i32
      %lt3A_198 = arith.cmpi slt, %add3A_176, %lt3A_197 : i32
      %convert_element_type3A_199 = arith.extui %lt3A_198 : i1 to i32
      %cond3A_200 = arith.constant 0 : i32
      %cond3A_201 = arith.cmpi ne, %convert_element_type3A_199, %cond3A_200 : i32
      scf.if %cond3A_201 {
        %jit3A = arith.constant 4 : i32
        %eq3A = arith.constant 0 : i32
        %eq3A_202 = arith.cmpi eq, %jit3A, %eq3A : i32
        %jit3A_203 = arith.constant 1 : i32
        %select_n3A = arith.select %eq3A_202, %jit3A_203, %jit3A : i32
        %rem3A = arith.remsi %add3A_176, %select_n3A : i32
        %ne3A = arith.constant 0 : i32
        %ne3A_204 = arith.cmpi ne, %rem3A, %ne3A : i32
        %lt3A_205 = arith.constant 0 : i32
        %lt3A_206 = arith.cmpi slt, %rem3A, %lt3A_205 : i32
        %lt3A_207 = arith.constant 0 : i32
        %lt3A_208 = arith.cmpi slt, %select_n3A, %lt3A_207 : i32
        %ne3A_209 = arith.xori %lt3A_206, %lt3A_208 : i1
        %and3A_210 = arith.andi %ne3A_209, %ne3A_204 : i1
        %add3A_211 = arith.addi %rem3A, %select_n3A : i32
        %select_n3A_212 = arith.select %and3A_210, %add3A_211, %rem3A : i32
        %mul3A_213 = arith.constant 16 : i32
        %mul3A_214 = arith.muli %select_n3A_212, %mul3A_213 : i32
        %parallel_loop3A = arith.constant 0 : i32
        %parallel_loop3A_215 = arith.constant 16 : i32
        %parallel_loop3A_216 = arith.constant 1 : i32
        scf.for %parallel_loop3A_233 = %parallel_loop3A to %parallel_loop3A_215 step %parallel_loop3A_216  : i32 {
          %parallel_loop3A_234 = arith.constant 0 : i32
          %parallel_loop3A_235 = arith.constant 48 : i32
          %parallel_loop3A_236 = arith.constant 1 : i32
          scf.for %parallel_loop3A_237 = %parallel_loop3A_234 to %parallel_loop3A_235 step %parallel_loop3A_236  : i32 {
            %parallel_loop3A_238 = arith.addi %mul3A_214, %parallel_loop3A_233 : i32
            %parallel_loop3A_239 = arith.constant 16 : i32
            %parallel_loop3A_240 = arith.muli %parallel_loop3A_237, %parallel_loop3A_239 : i32
            %parallel_loop3A_241 = arith.index_cast %parallel_loop3A_238 : i32 to index
            %parallel_loop3A_242 = arith.index_cast %parallel_loop3A_240 : i32 to index
            %parallel_loop3A_243 = tpu.vector_load %arg7[%parallel_loop3A_241, %parallel_loop3A_242] {strides = array<i32>} : memref<64x768xf32, #tpu.memory_space<vmem>>, vector<1x16xf32>,
            %parallel_loop3A_244 = vector.shape_cast %parallel_loop3A_243 : vector<1x16xf32> to vector<16xf32>
            %parallel_loop3A_245 = arith.constant 16 : i32
            %parallel_loop3A_246 = arith.muli %parallel_loop3A_237, %parallel_loop3A_245 : i32
            %parallel_loop3A_247 = arith.constant 4 : i32
            %parallel_loop3A_248 = arith.index_cast %parallel_loop3A_247 : i32 to index
            %parallel_loop3A_249 = arith.index_cast %parallel_loop3A_233 : i32 to index
            %parallel_loop3A_250 = arith.index_cast %parallel_loop3A_246 : i32 to index
            %parallel_loop3A_251 = tpu.vector_load %arg8[%parallel_loop3A_248, %parallel_loop3A_249, %parallel_loop3A_250] {strides = array<i32>} : memref<5x16x768xf32, #tpu.memory_space<vmem>>, vector<1x1x16xf32>,
            %parallel_loop3A_252 = vector.shape_cast %parallel_loop3A_251 : vector<1x1x16xf32> to vector<16xf32>
            %parallel_loop3A_253 = vector.shape_cast %parallel_loop3A_244 : vector<16xf32> to vector<1x1x16xf32>
            tpu.vector_store %arg8[%parallel_loop3A_248, %parallel_loop3A_249, %parallel_loop3A_250], %parallel_loop3A_253 {add = true, strides = array<i32>} : memref<5x16x768xf32, #tpu.memory_space<vmem>>, vector<1x1x16xf32>,
          } {sc.loop_unroll_factor = 8 : i64, sc.parallel_access}
        } {sc.loop_unroll_factor = 1 : i64, sc.parallel_access}
        %mul3A_217 = arith.constant 16 : i32
        %mul3A_218 = arith.muli %add3A_176, %mul3A_217 : i32
        %add3A_219 = arith.addi %mul3A_2, %mul3A_218 : i32
        %dma_start3A_220 = arith.constant 4 : i32
        %dma_start3A_221 = arith.constant 0 : i32
        %dma_start3A_222 = arith.constant 0 : i32
        %dma_start3A_223 = tpu.memref_slice %arg8[%dma_start3A_220, %dma_start3A_221, %dma_start3A_222] : memref<5x16x768xf32, #tpu.memory_space<vmem>> -> memref<1x16x768xf32, #tpu.memory_space<vmem>>
        %dma_start3A_224 = tpu.memref_squeeze %dma_start3A_223 : memref<1x16x768xf32, #tpu.memory_space<vmem>> -> memref<16x768xf32, #tpu.memory_space<vmem>>
        %dma_start3A_225 = arith.constant 0 : i32
        %dma_start3A_226 = tpu.memref_slice %arg5[%add3A_219, %dma_start3A_225] : memref<65536x768xf32, #tpu.memory_space<hbm>> -> memref<16x768xf32, #tpu.memory_space<hbm>>
        %dma_start3A_227 = arith.constant 0 : i32
        %dma_start3A_228 = tpu.memref_slice %arg5[%add3A_219, %dma_start3A_227] : memref<65536x768xf32, #tpu.memory_space<hbm>> -> memref<16x768xf32, #tpu.memory_space<hbm>>
        %dma_start3A_229 = arith.constant 0 : i32
        %dma_start3A_230 = arith.constant 0 : i32
        %dma_start3A_231 = tpu.memref_slice %arg8[%dma_start3A_220, %dma_start3A_229, %dma_start3A_230] : memref<5x16x768xf32, #tpu.memory_space<vmem>> -> memref<1x16x768xf32, #tpu.memory_space<vmem>>
        %dma_start3A_232 = tpu.memref_squeeze %dma_start3A_231 : memref<1x16x768xf32, #tpu.memory_space<vmem>> -> memref<16x768xf32, #tpu.memory_space<vmem>>
        tpu.enqueue_dma source(%dma_start3A_232 : memref<16x768xf32, #tpu.memory_space<vmem>>) target(%dma_start3A_228 : memref<16x768xf32, #tpu.memory_space<hbm>>) target_semaphore(%arg10 : memref<!tpu.dma_semaphore, #tpu.memory_space<semaphore_mem>>)
      } else {
      }
    }
    %scan3A_41 = arith.constant 26 : i32
    %dma_wait3A = arith.constant 0 : i32
    %dma_wait3A_42 = arith.constant 0 : i32
    %dma_wait3A_43 = arith.constant 0 : i32
    %dma_wait3A_44 = tpu.memref_slice %arg8[%dma_wait3A, %dma_wait3A_42, %dma_wait3A_43] : memref<5x16x768xf32, #tpu.memory_space<vmem>> -> memref<1x16x768xf32, #tpu.memory_space<vmem>>
    %dma_wait3A_45 = tpu.memref_squeeze %dma_wait3A_44 : memref<1x16x768xf32, #tpu.memory_space<vmem>> -> memref<16x768xf32, #tpu.memory_space<vmem>>
    %dma_wait3A_46 = arith.constant 0 : i32
    %dma_wait3A_47 = tpu.memref_slice %arg5[%mul3A_2, %dma_wait3A_46] : memref<65536x768xf32, #tpu.memory_space<hbm>> -> memref<16x768xf32, #tpu.memory_space<hbm>>
    %dma_wait3A_48 = arith.constant 0 : i32
    %dma_wait3A_49 = tpu.memref_slice %arg5[%mul3A_2, %dma_wait3A_48] : memref<65536x768xf32, #tpu.memory_space<hbm>> -> memref<16x768xf32, #tpu.memory_space<hbm>>
    %dma_wait3A_50 = arith.constant 0 : i32
    %dma_wait3A_51 = arith.constant 0 : i32
    %dma_wait3A_52 = tpu.memref_slice %arg8[%dma_wait3A, %dma_wait3A_50, %dma_wait3A_51] : memref<5x16x768xf32, #tpu.memory_space<vmem>> -> memref<1x16x768xf32, #tpu.memory_space<vmem>>
    %dma_wait3A_53 = tpu.memref_squeeze %dma_wait3A_52 : memref<1x16x768xf32, #tpu.memory_space<vmem>> -> memref<16x768xf32, #tpu.memory_space<vmem>>
    tpu.wait_dma2 semaphore(%arg10 : memref<!tpu.dma_semaphore, #tpu.memory_space<semaphore_mem>>) src(%dma_wait3A_53 : memref<16x768xf32, #tpu.memory_space<vmem>>) dst(%dma_wait3A_49 : memref<16x768xf32, #tpu.memory_space<hbm>>)
    %dma_wait3A_54 = arith.constant 0 : i32
    %dma_wait3A_55 = arith.constant 0 : i32
    %dma_wait3A_56 = arith.constant 0 : i32
    %dma_wait3A_57 = tpu.memref_slice %arg8[%dma_wait3A_54, %dma_wait3A_55, %dma_wait3A_56] : memref<5x16x768xf32, #tpu.memory_space<vmem>> -> memref<1x16x768xf32, #tpu.memory_space<vmem>>
    %dma_wait3A_58 = tpu.memref_squeeze %dma_wait3A_57 : memref<1x16x768xf32, #tpu.memory_space<vmem>> -> memref<16x768xf32, #tpu.memory_space<vmem>>
    %dma_wait3A_59 = arith.constant 0 : i32
    %dma_wait3A_60 = tpu.memref_slice %arg5[%mul3A_2, %dma_wait3A_59] : memref<65536x768xf32, #tpu.memory_space<hbm>> -> memref<16x768xf32, #tpu.memory_space<hbm>>
    %dma_wait3A_61 = arith.constant 0 : i32
    %dma_wait3A_62 = tpu.memref_slice %arg5[%mul3A_2, %dma_wait3A_61] : memref<65536x768xf32, #tpu.memory_space<hbm>> -> memref<16x768xf32, #tpu.memory_space<hbm>>
    %dma_wait3A_63 = arith.constant 0 : i32
    %dma_wait3A_64 = arith.constant 0 : i32
    %dma_wait3A_65 = tpu.memref_slice %arg8[%dma_wait3A_54, %dma_wait3A_63, %dma_wait3A_64] : memref<5x16x768xf32, #tpu.memory_space<vmem>> -> memref<1x16x768xf32, #tpu.memory_space<vmem>>
    %dma_wait3A_66 = tpu.memref_squeeze %dma_wait3A_65 : memref<1x16x768xf32, #tpu.memory_space<vmem>> -> memref<16x768xf32, #tpu.memory_space<vmem>>
    tpu.wait_dma2 semaphore(%arg10 : memref<!tpu.dma_semaphore, #tpu.memory_space<semaphore_mem>>) src(%dma_wait3A_66 : memref<16x768xf32, #tpu.memory_space<vmem>>) dst(%dma_wait3A_62 : memref<16x768xf32, #tpu.memory_space<hbm>>)
    return
  }
}

</mosaic_0001>

<sc_bundles>
// kernel: kernel.3.cloned.1.call-start
scs
__scs_entry_jumppad:
0x0: {  	(pc) =	sbr.rel $0x88, $3  }
0x1: {  	(tag) =	ssettag $0x0;
	lr =	simm.s32 $0x1  }
0x2: {  	[smem:$0x3F9E] =	sst lr;
	_ =	strace $0xD0000000  }
0x3: {  	_ = 	snop  }
0x4: {  	_ = 	snop  }
0x5: {  	_ = 	snop  }
0x6: {  	_ = 	snop  }
0x7: {  	_ = 	snop  }
__scs_overlays_trampoline_lowered:
0x8: {  	[smem:$0x3FAD] =	sst s0  }
0x9: {  	[smem:$0x3FAE] =	sst s1  }
0xa: {  	[smem:$0x3FAF] =	sst s2  }
0xb: {  	[smem:$0x3FB0] =	sst s3  }
0xc: {  	[smem:$0x3FB1] =	sst s4  }
0xd: {  	[smem:$0x3FB2] =	sst s5  }
0xe: {  	[smem:$0x3FB3] =	sst s6  }
0xf: {  	[smem:$0x3FB4] =	sst s7  }
0x10: {  	[smem:$0x3FB5] =	sst s8  }
0x11: {  	[smem:$0x3FB6] =	sst s9;
	s0 =	simm.s32 @!p0 $0x0  }
0x12: {  	s1 =	sld [smem:$0x3F9C];
	s0 =	simm.s32 @p0 $0x1  }
0x13: {  	[smem:$0x3FB7] =	sst s0;
	s0 =	simm.s32 @!p1 $0x0  }
0x14: {  	s2 =	sld [smem:$0x3F9B];
	s0 =	simm.s32 @p1 $0x1  }
0x15: {  	[smem:$0x3FB8] =	sst s0;
	s0 =	simm.s32 @!p2 $0x0  }
0x16: {  	s3 =	sld [smem:$0x3FDB];
	s0 =	simm.s32 @p2 $0x1  }
0x17: {  	s4 =	simm.s32 $0x1BF5;
	[smem:$0x3FBA] =	sst s0  }
0x18: {  	s0 =	sld [smem:$0x3F9D];
	_ =	swait.ge [sflag:s4], $0x0  }
0x19: {  	s7 =	sld [smem:$0x3F9E]  }
0x1a: {  	s8 =	sadd.s32 $0xFFFFE003, lr  }
0x1b: {  	s9 =	sadd.s32 $0xFFFFFEF7, lr;
	s5 =	simm.s32 $0xFFFFFFFF;
	p2 =	slt.u32 s8, $0xFFFFF086  }
0x1c: {  	p1 =	slt.u32 s9, $0xF7A;
	s5 =	simm.s32 @!p2 $0x0  }
0x1d: {  	s5 =	simm.s32 @p1 $0x1;
	p0 =	seq.s32 s7, s2  }
0x1e: {  	s7 =	smul.u32 @!p0 $0xF7A, s2;
	p2 =	seq.s32 @!p0 s5, $0x0  }
0x1f: {  	s9 =	smul.u32 $0xF7A, s1;
	s8 =	simm.s32 @!p0 $0x1BF5;
	p2 =	por !p2, p0  }
0x20: {  	[sflag:s8] =	ssyncset.s32 @!p0 $0xFFFFF086;
	s6 =	sadd.s32 @!p0 s3, s7;
	s7 =	simm.s32 @!p0 $0x108  }
0x21: {  	s3 =	sadd.s32 s3, s9;
	s6 =	sadd.s32 @!p0 $0x88, s6;
	s7 =	simm.s32 @p2 $0x1082  }
0x22: {  	[simem:s7], [sflag:s8] =	dma.local @!p0 [hbm:s6], $0xF7A  }
0x23: {  	s9 =	sor.u32 $0xD0000000, s2;
	s6 =	simm.s32 $0x108;
	_ =	swait.ge @!p0 [sflag:s8], $0x0  }
0x24: {  	s3 =	sadd.s32 $0x88, s3;
	s6 =	simm.s32 @!p1 $0x1082;
	[sflag:s4] =	ssyncset.s32 $0xFFFFF086  }
0x25: {  	[simem:s6], [sflag:s4] =	dma.local [hbm:s3], $0xF7A  }
0x26: {  	[smem:$0x3F9E] =	sst s1;
	(tag) =	ssettag s2;
	_ =	strace s9  }
0x27: {  	s1 =	sld [smem:$0x3FAE]  }
0x28: {  	s2 =	sld [smem:$0x3FAF]  }
0x29: {  	s4 =	sld [smem:$0x3FB1]  }
0x2a: {  	p0 =	seq.s32 s5, $0x0;
	s5 =	sld [smem:$0x3FB2]  }
0x2b: {  	s6 =	sld [smem:$0x3FB3]  }
0x2c: {  	s7 =	sld [smem:$0x3FB4]  }
0x2d: {  	s3 =	simm.s32 $0x108;
	s8 =	sld [smem:$0x3FB5]  }
0x2e: {  	s3 =	simm.s32 @!p0 $0x1082;
	s9 =	sld [smem:$0x3FB6]  }
0x2f: {  	lr =	sadd.s32 s0, s3;
	s0 =	sld [smem:$0x3FAD]  }
0x30: {  	s3 =	sld [smem:$0x3FB0]  }
0x31: {  	[smem:$0x3FB9] =	sst s10  }
0x32: {  	s10 =	sld [smem:$0x3FB7];
	_ =	sdelay $0x3  }
0x33: {  	p0 =	seq.s32 s10, $0x1;
	s10 =	sld [smem:$0x3FB9];
	_ =	sdelay $0x3  }
0x34: {  	[smem:$0x3FB9] =	sst s10  }
0x35: {  	s10 =	sld [smem:$0x3FB8];
	_ =	sdelay $0x3  }
0x36: {  	p1 =	seq.s32 s10, $0x1;
	s10 =	sld [smem:$0x3FB9];
	_ =	sdelay $0x3  }
0x37: {  	[smem:$0x3FB9] =	sst s10  }
0x38: {  	s10 =	sld [smem:$0x3FBA]  }
0x39: {  	_ = 	snop;
	(pc) =	sbr.ind lr, $3  }
0x3a: {  	_ = 	snop  }
0x3b: {  	_ = 	snop  }
0x3c: {  	p2 =	seq.s32 s10, $0x1;
	s10 =	sld [smem:$0x3FB9]  }
0x3d: {  	_ =	shalt  }
0x3e: {  	_ =	shalt  }
0x3f: {  	_ =	shalt  }
0x40: {  	_ =	shalt  }
0x41: {  	_ =	shalt  }
0x42: {  	_ =	shalt  }
0x43: {  	_ =	shalt  }
0x44: {  	_ =	shalt  }
0x45: {  	_ =	shalt  }
0x46: {  	_ =	shalt  }
0x47: {  	_ =	shalt  }
0x48: {  	_ =	shalt  }
0x49: {  	_ =	shalt  }
0x4a: {  	_ =	shalt  }
0x4b: {  	_ =	shalt  }
0x4c: {  	_ =	shalt  }
0x4d: {  	_ =	shalt  }
0x4e: {  	_ =	shalt  }
0x4f: {  	_ =	shalt  }
0x50: {  	_ =	shalt  }
0x51: {  	_ =	shalt  }
0x52: {  	_ =	shalt  }
0x53: {  	_ =	shalt  }
0x54: {  	_ =	shalt  }
0x55: {  	_ =	shalt  }
0x56: {  	_ =	shalt  }
0x57: {  	_ =	shalt  }
0x58: {  	_ =	shalt  }
0x59: {  	_ =	shalt  }
0x5a: {  	_ =	shalt  }
0x5b: {  	_ =	shalt  }
0x5c: {  	_ =	shalt  }
0x5d: {  	_ =	shalt  }
0x5e: {  	_ =	shalt  }
0x5f: {  	_ =	shalt  }
0x60: {  	_ =	shalt  }
0x61: {  	_ =	shalt  }
0x62: {  	_ =	shalt  }
0x63: {  	_ =	shalt  }
0x64: {  	_ =	shalt  }
0x65: {  	_ =	shalt  }
0x66: {  	_ =	shalt  }
0x67: {  	_ =	shalt  }
0x68: {  	_ =	shalt  }
0x69: {  	_ =	shalt  }
0x6a: {  	_ =	shalt  }
0x6b: {  	_ =	shalt  }
0x6c: {  	_ =	shalt  }
0x6d: {  	_ =	shalt  }
0x6e: {  	_ =	shalt  }
0x6f: {  	_ =	shalt  }
0x70: {  	_ =	shalt  }
0x71: {  	_ =	shalt  }
0x72: {  	_ =	shalt  }
0x73: {  	_ =	shalt  }
0x74: {  	_ =	shalt  }
0x75: {  	_ =	shalt  }
0x76: {  	_ =	shalt  }
0x77: {  	_ =	shalt  }
0x78: {  	_ =	shalt  }
0x79: {  	_ =	shalt  }
0x7a: {  	_ =	shalt  }
0x7b: {  	_ =	shalt  }
0x7c: {  	_ =	shalt  }
0x7d: {  	_ =	shalt  }
0x7e: {  	_ =	shalt  }
0x7f: {  	_ =	shalt  }
0x80: {  	_ =	shalt  }
0x81: {  	_ =	shalt  }
0x82: {  	_ =	shalt  }
0x83: {  	_ =	shalt  }
0x84: {  	_ =	shalt  }
0x85: {  	_ =	shalt  }
0x86: {  	_ =	shalt  }
0x87: {  	_ =	shalt  }
.Lfunc_end0:
.L_simem_size_0:
called_computation_lowered:
.L_overlay_start_0:
0x88: {  	s2 =	sld [smem:$0x3FD9]  }
0x89: {  	s3 =	sld [smem:$0x3FFE];
	_ =	sdelay $0x1  }
0x8a: {  	s1 =	srdreg.scid  }
0x8b: {  	s0 =	sand.u32 $0x1, s1  }
0x8c: {  	s17 =	sshll.u32 s0, $0xA;
	s2 =	sadd.s32 s3, s2  }
0x8d: {  	s2 =	sadd.s32 s2, s17  }
0x8e: {  	[smem:$0x3FC5] =	sst s2  }
0x8f: {  	_ = 	snop  }
0x90: {  	s2 =	sld [smem:$0x3FC8]  }
0x91: {  	s18 =	sld [smem:$0x3FC7]  }
0x92: {  	s4 =	sld [smem:$0x3FD0];
	(tm) =	ssettm $0x1  }
0x93: {  	s5 =	sld [smem:$0x3FFB];
	_ =	sdelay $0x3  }
0x94: {  	_ =	strace s5  }
0x95: {  	s5 =	sld [smem:$0x3FFC];
	_ =	sdelay $0x3  }
0x96: {  	_ =	strace s5  }
0x97: {  	s5 =	sld [smem:$0x3FFD];
	_ =	sdelay $0x3  }
0x98: {  	_ =	strace s5  }
0x99: {  	_ =	strace $0x8FFFFFFF  }
0x9a: {  	s19 =	sld [smem:$0x3FDB];
	_ =	sdelay $0x1  }
0x9b: {  	s6 =	simm.s32 $_scs_section_size  }
0x9c: {  	s7 =	simm.s32 $_size__tile_overlayer_lowered;
	s8 =	simm.s32 $_tile_overlayer_lowered  }
0x9d: {  	s22 =	simm.s32 $0x1BFF;
	s21 =	sshll.u32 s8, $0x1;
	s5 =	sadd.s32 s6, s19  }
0x9e: {  	s9 =	simm.s32 $0x0;
	s20 =	sshll.u32 s7, $0x1;
	s7 =	sadd.s32 s21, s5  }
0x9f: {  	[timem:s9], [sflag:s22] =	dma.local [hbm:s7], s20  }
0xa0: {  	_ =	swait.ge [sflag:s22], s20  }
0xa1: {  	s6 =	ssub.s32 $0x0, s20;
	[sflag:s22] =	ssyncset.done $0x0  }
0xa2: {  	[sflag:s22] =	ssyncadd.s32 s6;
	_ =	sdelay $0x1  }
0xa3: {  	s23 =	simm.s32 $0x1B8B  }
0xa4: {  	_ =	swait.ge [sflag:s23], $0x1  }
0xa5: {  	[sflag:s23] =	ssyncset.done $0x0  }
0xa6: {  	s25 =	simm.s32 $0x1B8E;
	s24 =	sld [smem:$0x3FFE];
	[sflag:s23] =	ssyncadd.s32 $0xFFFFFFFF  }
0xa7: {  	s26 =	simm.s32 $execute0_lowered;
	[smem:$0x3FD2] =	sst s25  }
0xa8: {  	s7 =	sshll.u32 s26, $0x1;
	_ =	strace $0x80000046;
	[dreg:$0x1] =	wrdreg $0xFFFFFFFF  }
0xa9: {  	s28 =	simm.s32 $_size_execute0_lowered;
	s5 =	sadd.s32 s5, s7;
	[dreg:$0x0] =	wrdreg $0x0  }
0xaa: {  	s7 =	sshll.u32 s28, $0x1;
	[dreg:$0x2] =	wrdreg s5  }
0xab: {  	[dreg:$0x3] =	wrdreg s7  }
0xac: {  	[dreg:$0x4] =	wrdreg $0xC0  }
0xad: {  	_ =	task [dreg:s9], $0x5FFFF  }
0xae: {  	[dreg:$0x1] =	wrdreg $0xFFFFFFFF  }
0xaf: {  	[dreg:$0x0] =	wrdreg $0x60  }
0xb0: {  	[dreg:$0x2] =	wrdreg s24  }
0xb1: {  	[dreg:$0x3] =	wrdreg s2  }
0xb2: {  	[dreg:$0x4] =	wrdreg s18  }
0xb3: {  	[dreg:$0x5] =	wrdreg s4  }
0xb4: {  	[dreg:$0x6] =	wrdreg $0x9  }
0xb5: {  	_ =	task.clear_ibuf [dreg:s9], $0x7FFFF;
	_ =	strace $0x90000046  }
0xb6: {  	s29 =	simm.s32 $0x9;
	_ =	strace $0x80000048  }
0xb7: {  	_ =	swait.ge [sflag:s29], $0x1  }
0xb8: {  	[sflag:s29] =	ssyncadd.s32 $0xFFFFFFFF  }
0xb9: {  	_ =	strace $0x90000048  }
0xba: {  	_ =	sfence  }
0xbb: {  	s30 =	sld [smem:$0x0];
	_ =	sdelay $0x2  }
0xbc: {  	s31 =	sshll.u32 s1, $0xD;
	s1 =	sshrl.u32 s1, $0x2  }
0xbd: {  	s3 =	sand.u32 $0x4000, s31;
	s1 =	sadd.s32 s1, s30  }
0xbe: {  	s0 =	sor.u32 s3, s0;
	s1 =	sshll.u32 s1, $0x11  }
0xbf: {  	s0 =	sor.u32 s1, s0  }
0xc0: {  	s0 =	sadd.s32 $0x8F2B, s0  }
0xc1: {  	[sflag:s0] =	ssyncadd.remote.s32 $0x1  }
0xc2: {  	_ =	sfence.sel $0xFFFF  }
0xc3: {  	[dreg:$0x0] =	wrdreg $0xFFFFFFFF;
	(pc) =	sbr.abs _section_cstart, $3  }
0xc4: {  	[dreg:$0x1] =	wrdreg $0xFFFFFFFF  }
0xc5: {  	_ =	task.clear_ibuf [dreg:s9], $0x2FFFF;
	_ =	strace $0x9FFFFFFF  }
0xc6: {  	(tm) =	ssettm $0x7FFFFFFF  }
0xc7: {  	_ =	shalt  }
tec
execute0_lowered:
.L_overlay_start_1:
0x0: {  	(tag) =	ssettag $0x1  }
0x1: {  	s0 =	rddreg [dreg:$0x0]  }
0x2: {  	s2 =	rddreg [dreg:$0x1];
	s1 =	srdreg.scid  }
0x3: {  	s4 =	rddreg [dreg:$0x3];
	s3 =	stileid.u32  }
0x4: {  	s5 =	simm.s32 $0x0;
	s12 =	simm.s32 $0x10000;
	s18 =	simm.s32 $0x13000  }
0x5: {  	s24 =	simm.s32 $0x16000;
	s31 =	simm.s32 $0x1;
	s1 =	sand.u32 $0x1, s1  }
0x6: {  	s3 =	sshll.u32 s3, $0xC;
	[smem:$0x7FF] =	sst s5;
	s6 =	sshll.u32 s1, $0xB  }
.Ltmp0:
0x7: {  	s1 =	ssub.s32 $0x2, s1;
	s6 =	sor.u32 s6, s3;
	(pc) =	sbr.rel .LBB2_1-.Ltmp0, $4  }
0x8: {  	s8 =	sadd.s32 $0x100, s2;
	s29 =	sshrl.u32 s1, $0x1;
	s0 =	sadd.s32 s6, s0  }
0x9: {  	v2 =	vlaneseq.u32;
	s9 =	sadd.s32 $0x200, s2;
	s1 =	ssub.s32 s1, s29;
	s0 =	sadd.s32 $0x400, s0  }
0xa: {  	vm0 =	vmmov $0xffff;
	v1 =	vshrl.u32 v2, $0x3;
	_ =	strace $0x80000047;
	s30 =	smax.u32 s1, $0x1;
	[dreg:$0x5] =	wrdreg s0  }
0xb: {  	v0 =	vand.u32 $0x7, v2;
	v2 =	vor.u32 $0x8, v2;
	v1 =	vmul.u32 $0x8, v1;
	s3 =	simm.s32 $0x0;
	[dreg:$0x6] =	wrdreg s30;
	s0 =	simm.s32 $0x2  }
.LBB2_24:
0xc: {  	_ =	swait.ge [sflag:s0], $0x3000  }
0xd: {  	[sflag:s0] =	ssyncset.done $0x0  }
0xe: {  	[sflag:s0] =	ssyncadd.s32 $0xFFFFD000  }
0xf: {  	_ =	swait.ge [sflag:s0], $0x3000  }
0x10: {  	s3 =	rddreg [dreg:$0x7]  }
0x11: {  	s1 =	rddreg [dreg:$0x6];
	s3 =	sadd.s32 $0x1, s3  }
0x12: {  	p0 =	sne.s32 s3, s1  }
.Ltmp1:
0x13: {  	_ = 	snop;
	(pc) =	sbr.rel @!p0 .LBB2_25-.Ltmp1, $3  }
0x14: {  	_ =	sdelay $0x1  }
0x15: {  	[sflag:s0] =	ssyncset.done $0x0  }
0x16: {  	[sflag:s0] =	ssyncadd.s32 $0xFFFFD000  }
.LBB2_1:
0x17: {  	[dreg:$0x7] =	wrdreg s3  }
0x18: {  	s1 =	rddreg [dreg:$0x5];
	s13 =	simm.s32 $0x3  }
0x19: {  	[tilespmem:s5], [sflag:$0x3] =	stream.linear.gather [hbm4b:s1+s5], $0x4000, $0x38;
	[tilespmem:$0x1F000] =	vst v63  }
0x1a: {  	_ =	swait.ge [sflag:s13], $0x4000  }
0x1b: {  	[sflag:s13] =	ssyncset.done $0x0  }
0x1c: {  	[sflag:s13] =	ssyncadd.s32 $0xFFFFC000  }
0x1d: {  	s10 =	simm.s32 $0x4000;
	s7 =	rddreg [dreg:$0x2]  }
0x1e: {  	[tilespmem:s10], [sflag:$0x3] =	stream.linear.gather [hbm4b:s7+s5], $0xC000, $0x38;
	[tilespmem:$0x1F000] =	vst v63  }
0x1f: {  	_ =	swait.ge [sflag:s13], $0xC000  }
0x20: {  	[sflag:s13] =	ssyncset.done $0x0  }
0x21: {  	[sflag:s13] =	ssyncadd.s32 $0xFFFF4000  }
0x22: {  	v3 =	vld [tilespmem:$0x0];
	_ =	sdelay $0x4  }
0x23: {  	v4 =	vshrl.u32 v3, $0x3  }
0x24: {  	v4 =	vmul.u32 $0x30, v4  }
0x25: {  	v3 =	vand.u32 $0x7, v3  }
0x26: {  	v3 =	vor.u32 v3, v4  }
0x27: {  	v4 =	vperm.xlane v3, v0;
	_ =	sdelay $0x1  }
0x28: {  	v4 =	vadd.s32 v1, v4;
	_ =	sdelay $0x3  }
0x29: {  	v3 =	vperm.xlane v3, v2  }
0x2a: {  	[tilespmem:s12], [sflag:$0x1] =	stream.indirect_vreg.gather [hbm4b:s2+s5], $0x80, v4, vm0, $0xb8;
	[tilespmem:$0x1F000] =	vst v63  }
0x2b: {  	s11 =	simm.s32 $0x10800;
	v3 =	vadd.s32 v1, v3  }
0x2c: {  	[tilespmem:s11], [sflag:$0x1] =	stream.indirect_vreg.gather [hbm4b:s8+s5], $0x80, v4, vm0, $0xb8;
	[tilespmem:$0x1F000] =	vst v63  }
0x2d: {  	s14 =	simm.s32 $0x11000  }
0x2e: {  	[tilespmem:s14], [sflag:$0x1] =	stream.indirect_vreg.gather [hbm4b:s9+s5], $0x80, v4, vm0, $0xb8;
	[tilespmem:$0x1F000] =	vst v63  }
0x2f: {  	s15 =	simm.s32 $0x11800  }
0x30: {  	[tilespmem:s15], [sflag:$0x1] =	stream.indirect_vreg.gather [hbm4b:s2+s5], $0x80, v3, vm0, $0xb8;
	[tilespmem:$0x1F000] =	vst v63  }
0x31: {  	s16 =	simm.s32 $0x12000  }
0x32: {  	[tilespmem:s16], [sflag:$0x1] =	stream.indirect_vreg.gather [hbm4b:s8+s5], $0x80, v3, vm0, $0xb8;
	[tilespmem:$0x1F000] =	vst v63  }
0x33: {  	s17 =	simm.s32 $0x12800  }
0x34: {  	[tilespmem:s17], [sflag:$0x1] =	stream.indirect_vreg.gather [hbm4b:s9+s5], $0x80, v3, vm0, $0xb8;
	[tilespmem:$0x1F000] =	vst v63  }
0x35: {  	v3 =	vld [tilespmem:$0x80];
	_ =	sdelay $0x4  }
0x36: {  	v62 =	vshrl.u32 v3, $0x3  }
0x37: {  	v4 =	vmul.u32 $0x30, v62  }
0x38: {  	v3 =	vand.u32 $0x7, v3  }
0x39: {  	v3 =	vor.u32 v3, v4  }
0x3a: {  	v4 =	vperm.xlane v3, v0;
	_ =	sdelay $0x1  }
0x3b: {  	v4 =	vadd.s32 v1, v4;
	_ =	sdelay $0x3  }
0x3c: {  	v3 =	vperm.xlane v3, v2  }
0x3d: {  	[tilespmem:s18], [sflag:$0x1] =	stream.indirect_vreg.gather [hbm4b:s2+s5], $0x80, v4, vm0, $0xb8;
	[tilespmem:$0x1F000] =	vst v63  }
0x3e: {  	s19 =	simm.s32 $0x13800;
	v3 =	vadd.s32 v1, v3  }
0x3f: {  	[tilespmem:s19], [sflag:$0x1] =	stream.indirect_vreg.gather [hbm4b:s8+s5], $0x80, v4, vm0, $0xb8;
	[tilespmem:$0x1F000] =	vst v63  }
0x40: {  	s20 =	simm.s32 $0x14000  }
0x41: {  	[tilespmem:s20], [sflag:$0x1] =	stream.indirect_vreg.gather [hbm4b:s9+s5], $0x80, v4, vm0, $0xb8;
	[tilespmem:$0x1F000] =	vst v63  }
0x42: {  	s21 =	simm.s32 $0x14800  }
0x43: {  	[tilespmem:s21], [sflag:$0x1] =	stream.indirect_vreg.gather [hbm4b:s2+s5], $0x80, v3, vm0, $0xb8;
	[tilespmem:$0x1F000] =	vst v63  }
0x44: {  	s22 =	simm.s32 $0x15000  }
0x45: {  	[tilespmem:s22], [sflag:$0x1] =	stream.indirect_vreg.gather [hbm4b:s8+s5], $0x80, v3, vm0, $0xb8;
	[tilespmem:$0x1F000] =	vst v63  }
0x46: {  	s23 =	simm.s32 $0x15800  }
0x47: {  	[tilespmem:s23], [sflag:$0x1] =	stream.indirect_vreg.gather [hbm4b:s9+s5], $0x80, v3, vm0, $0xb8;
	[tilespmem:$0x1F000] =	vst v63  }
0x48: {  	v3 =	vld [tilespmem:$0x100];
	_ =	sdelay $0x4  }
0x49: {  	v63 =	vshrl.u32 v3, $0x3  }
0x4a: {  	v4 =	vmul.u32 $0x30, v63  }
0x4b: {  	v3 =	vand.u32 $0x7, v3  }
0x4c: {  	v3 =	vor.u32 v3, v4  }
0x4d: {  	v4 =	vperm.xlane v3, v0;
	_ =	sdelay $0x1  }
0x4e: {  	v4 =	vadd.s32 v1, v4;
	_ =	sdelay $0x3  }
0x4f: {  	v3 =	vperm.xlane v3, v2  }
0x50: {  	[tilespmem:s24], [sflag:$0x1] =	stream.indirect_vreg.gather [hbm4b:s2+s5], $0x80, v4, vm0, $0xb8;
	[tilespmem:$0x1F000] =	vst v63  }
0x51: {  	s25 =	simm.s32 $0x16800;
	v3 =	vadd.s32 v1, v3  }
0x52: {  	[tilespmem:s25], [sflag:$0x1] =	stream.indirect_vreg.gather [hbm4b:s8+s5], $0x80, v4, vm0, $0xb8;
	[tilespmem:$0x1F000] =	vst v63  }
0x53: {  	s26 =	simm.s32 $0x17000  }
0x54: {  	[tilespmem:s26], [sflag:$0x1] =	stream.indirect_vreg.gather [hbm4b:s9+s5], $0x80, v4, vm0, $0xb8;
	[tilespmem:$0x1F000] =	vst v63  }
0x55: {  	s28 =	simm.s32 $0x17800  }
0x56: {  	[tilespmem:s28], [sflag:$0x1] =	stream.indirect_vreg.gather [hbm4b:s2+s5], $0x80, v3, vm0, $0xb8;
	[tilespmem:$0x1F000] =	vst v63  }
0x57: {  	s29 =	simm.s32 $0x18000;
	s30 =	simm.s32 $0x18800;
	s14 =	simm.s32 $0x2  }
0x58: {  	[tilespmem:s29], [sflag:$0x1] =	stream.indirect_vreg.gather [hbm4b:s8+s5], $0x80, v3, vm0, $0xb8;
	[tilespmem:$0x1F000] =	vst v63  }
0x59: {  	s15 =	simm.s32 $0x1;
	s16 =	simm.s32 $0x0;
	s17 =	simm.s32 $0x0  }
0x5a: {  	[tilespmem:s30], [sflag:$0x1] =	stream.indirect_vreg.gather [hbm4b:s9+s5], $0x80, v3, vm0, $0xb8;
	[tilespmem:$0x1F000] =	vst v63  }
.LBB2_2:
0x5b: {  	s10 =	smul.u32 $0x5, s17;
	_ =	sdelay $0x1  }
0x5c: {  	_ =	swait.ge [sflag:s31], $0x3000;
	s1 =	sadd.s32 $0xFFFFFFFE, s10  }
0x5d: {  	[sflag:s31] =	ssyncset.done $0x0;
	p1 =	sgt.u32 s1, $0x7D  }
0x5e: {  	[sflag:s31] =	ssyncadd.s32 $0xFFFFD000;
	s3 =	simm.s32 @!p1 $0x2  }
0x5f: {  	p0 =	seq.s32 s17, $0x19;
	s1 =	sadd.s32 $0x3, s10;
	_ =	swait.ge @!p1 [sflag:s3], $0x3000  }
0x60: {  	s7 =	sshll.u32 @!p0 s1, $0x7;
	[sflag:s3] =	ssyncset.done @!p1 $0x0  }
0x61: {  	[sflag:s3] =	ssyncadd.s32 @!p1 $0xFFFFD000;
	s3 =	sand.u32 @!p0 $0x3FFFFF80, s7  }
0x62: {  	v3 =	vld @!p0 [tilespmem:s3+$0x0];
	_ =	sdelay $0x4  }
0x63: {  	v4 =	vshrl.u32 @!p0 v3, $0x3  }
0x64: {  	v4 =	vmul.u32 @!p0 $0x30, v4  }
0x65: {  	v5 =	vlaneseq.u32 @!p0;
	v3 =	vand.u32 @!p0 $0x7, v3  }
0x66: {  	v6 =	vshrl.u32 @!p0 v5, $0x3;
	v3 =	vor.u32 @!p0 v3, v4;
	v4 =	vand.u32 @!p0 $0x7, v5  }
0x67: {  	v6 =	vmul.u32 @!p0 $0x8, v6;
	v4 =	vperm.xlane @!p0 v3, v4;
	_ =	sdelay $0x1  }
0x68: {  	v4 =	vadd.s32 @!p0 v6, v4;
	_ =	sdelay $0x2  }
0x69: {  	v5 =	vor.u32 @!p0 $0x8, v5  }
0x6a: {  	vm1 =	vmmov @!p0 $0xffff;
	s7 =	simm.s32 @!p0 $0x19000;
	s3 =	simm.s32 @!p0 $0x0;
	v3 =	vperm.xlane @!p0 v3, v5  }
0x6b: {  	[tilespmem:s7], [sflag:$0x1] =	stream.indirect_vreg.gather @!p0 [hbm4b:s2+s3], $0x80, v4, vm1, $0xb8;
	[tilespmem:$0x1F000] =	vst v63  }
0x6c: {  	v3 =	vadd.s32 @!p0 v6, v3;
	s7 =	simm.s32 @!p0 $0x19800  }
0x6d: {  	[tilespmem:s7], [sflag:$0x1] =	stream.indirect_vreg.gather @!p0 [hbm4b:s8+s3], $0x80, v4, vm1, $0xb8;
	[tilespmem:$0x1F000] =	vst v63  }
0x6e: {  	s28 =	sshll.u32 s16, $0x4;
	s29 =	sand.u32 $0x3, s13;
	s7 =	simm.s32 @!p0 $0x1A000  }
0x6f: {  	[tilespmem:s7], [sflag:$0x1] =	stream.indirect_vreg.gather @!p0 [hbm4b:s9+s3], $0x80, v4, vm1, $0xb8;
	[tilespmem:$0x1F000] =	vst v63  }
0x70: {  	s19 =	sand.u32 $0x3, s14;
	s30 =	sand.u32 $0x3, s15;
	s11 =	simm.s32 @!p0 $0x1A800  }
0x71: {  	[tilespmem:s11], [sflag:$0x1] =	stream.indirect_vreg.gather @!p0 [hbm4b:s2+s3], $0x80, v3, vm1, $0xb8;
	[tilespmem:$0x1F000] =	vst v63  }
0x72: {  	s22 =	simm.s32 $0x0;
	s7 =	sand.u32 $0x30, s28;
	s11 =	simm.s32 @!p0 $0x1B000  }
0x73: {  	[tilespmem:s11], [sflag:$0x1] =	stream.indirect_vreg.gather @!p0 [hbm4b:s8+s3], $0x80, v3, vm1, $0xb8;
	[tilespmem:$0x1F000] =	vst v63  }
0x74: {  	s20 =	simm.s32 @!p0 $0x1B800;
	s21 =	smov.u32 s7;
	s11 =	sshll.u32 s29, $0x4  }
0x75: {  	[tilespmem:s20], [sflag:$0x1] =	stream.indirect_vreg.gather @!p0 [hbm4b:s9+s3], $0x80, v3, vm1, $0xb8;
	[tilespmem:$0x1F000] =	vst v63  }
0x76: {  	s3 =	sshll.u32 s19, $0x4;
	s19 =	sshll.u32 s30, $0x4;
	s20 =	simm.s32 $0x0  }
.LBB2_3:
0x77: {  	s23 =	sand.u32 $0x7, s20  }
0x78: {  	s23 =	sshll.u32 s23, $0x9  }
0x79: {  	s23 =	sshrl.u32 s23, $0x2  }
0x7a: {  	s25 =	sshrl.u32 s21, $0x3;
	v3 =	vmov s23  }
0x7b: {  	s25 =	smul.u32 $0x6000, s25;
	_ =	sdelay $0x1  }
0x7c: {  	s25 =	sshra.s32 s25, $0x2  }
0x7d: {  	s28 =	sadd.s32 $0x4040, s25  }
0x7e: {  	v4 =	vld.idx.msk [tilespmem:v3+s28+$0x30 ss:$0x1], $0xffff  }
0x7f: {  	s30 =	sshrl.u32 s22, $0x3;
	v5 =	vld.idx.msk [tilespmem:v3+s28+$0xFFFFFFD0 ss:$0x1], $0xffff  }
0x80: {  	s25 =	smul.u32 $0x6000, s30;
	v6 =	vld.idx.msk [tilespmem:v3+s28+$0xFFFFFFE0 ss:$0x1], $0xffff  }
0x81: {  	v7 =	vld.idx.msk [tilespmem:v3+s28+$0xFFFFFFF0 ss:$0x1], $0xffff  }
0x82: {  	s25 =	sshra.s32 s25, $0x2;
	v8 =	vld.idx.msk [tilespmem:v3+s28+$0x0 ss:$0x1], $0xffff  }
0x83: {  	s25 =	sadd.s32 $0x10000, s25;
	v9 =	vld.idx.msk [tilespmem:v3+s28+$0x10 ss:$0x1], $0xffff  }
0x84: {  	s29 =	sadd.s32 s23, s25;
	v10 =	vld.idx.msk [tilespmem:v3+s28+$0xFFFFFFC0 ss:$0x1], $0xffff  }
0x85: {  	[tilespmem:s29+$0x70] =	vst.add.f32.msk $0xffff, v4  }
0x86: {  	v4 =	vld.idx.msk [tilespmem:v3+s28+$0x20 ss:$0x1], $0xffff  }
0x87: {  	[tilespmem:s29+$0x10] =	vst.add.f32.msk $0xffff, v5  }
0x88: {  	[tilespmem:s29+$0x20] =	vst.add.f32.msk $0xffff, v6  }
0x89: {  	[tilespmem:s29+$0x30] =	vst.add.f32.msk $0xffff, v7  }
0x8a: {  	[tilespmem:s29+$0x40] =	vst.add.f32.msk $0xffff, v8  }
0x8b: {  	[tilespmem:s29+$0x50] =	vst.add.f32.msk $0xffff, v9  }
0x8c: {  	[tilespmem:s29+$0x0] =	vst.add.f32.msk $0xffff, v10  }
0x8d: {  	s26 =	simm.s32 $0x0;
	s28 =	sadd.s32 $0x400, s28;
	[tilespmem:s29+$0x60] =	vst.add.f32.msk $0xffff, v4  }
.LBB2_4:
0x8e: {  	v4 =	vld.idx.msk [tilespmem:v3+s28+$0x30 ss:$0x1], $0xffff;
	s26 =	sadd.s32 $0x8, s26  }
0x8f: {  	v5 =	vld.idx.msk [tilespmem:v3+s28+$0xFFFFFFD0 ss:$0x1], $0xffff;
	p1 =	slt.u32 s26, $0x28  }
0x90: {  	v6 =	vld.idx.msk [tilespmem:v3+s28+$0xFFFFFFE0 ss:$0x1], $0xffff  }
0x91: {  	v7 =	vld.idx.msk [tilespmem:v3+s28+$0xFFFFFFF0 ss:$0x1], $0xffff  }
0x92: {  	s25 =	sadd.s32 $0x400, s25;
	v8 =	vld.idx.msk [tilespmem:v3+s28+$0x0 ss:$0x1], $0xffff  }
0x93: {  	s29 =	sadd.s32 s23, s25;
	v9 =	vld.idx.msk [tilespmem:v3+s28+$0x10 ss:$0x1], $0xffff  }
0x94: {  	[tilespmem:s29+$0x70] =	vst.add.f32.msk $0xffff, v4  }
0x95: {  	v4 =	vld.idx.msk [tilespmem:v3+s28+$0x20 ss:$0x1], $0xffff  }
0x96: {  	v10 =	vld.idx.msk [tilespmem:v3+s28+$0xFFFFFFC0 ss:$0x1], $0xffff  }
0x97: {  	[tilespmem:s29+$0x10] =	vst.add.f32.msk $0xffff, v5  }
0x98: {  	[tilespmem:s29+$0x20] =	vst.add.f32.msk $0xffff, v6  }
.Ltmp2:
0x99: {  	[tilespmem:s29+$0x30] =	vst.add.f32.msk $0xffff, v7;
	(pc) =	sbr.rel @p1 .LBB2_4-.Ltmp2, $4  }
0x9a: {  	[tilespmem:s29+$0x40] =	vst.add.f32.msk $0xffff, v8  }
0x9b: {  	[tilespmem:s29+$0x50] =	vst.add.f32.msk $0xffff, v9  }
0x9c: {  	[tilespmem:s29+$0x0] =	vst.add.f32.msk $0xffff, v10  }
0x9d: {  	s28 =	sadd.s32 $0x400, s28;
	[tilespmem:s29+$0x60] =	vst.add.f32.msk $0xffff, v4  }
0x9e: {  	s22 =	sadd.s32 $0x1, s22  }
0x9f: {  	p1 =	sne.s32 s22, $0x10  }
.Ltmp3:
0xa0: {  	_ = 	snop;
	(pc) =	sbr.rel @p1 .LBB2_3-.Ltmp3, $2  }
0xa1: {  	_ =	sdelay $0x2  }
0xa2: {  	s20 =	sadd.s32 $0x1, s20;
	s21 =	sadd.s32 $0x1, s21  }
0xa3: {  	s20 =	smul.u32 $0x50, s17;
	_ =	sdelay $0x1  }
0xa4: {  	s21 =	sadd.s32 s6, s20  }
0xa5: {  	s21 =	sshrl.u32 s21, $0x3  }
0xa6: {  	s21 =	smul.u32 $0x300, s21;
	_ =	sdelay $0x1  }
0xa7: {  	s21 =	sadd.s32 s4, s21  }
0xa8: {  	[hbm4b:s21+s5] =	stream.linear.scatter [tilespmem:s12], [sflag:$0x2], $0x3000, $0x38;
	[tilespmem:$0x1F000] =	vst v63  }
0xa9: {  	s30 =	sadd.s32 $0xFFFFFFFF, s10;
	_ =	swait.ge [sflag:s31], $0x3000  }
0xaa: {  	p1 =	sgt.u32 s30, $0x7D;
	[sflag:s31] =	ssyncset.done $0x0  }
0xab: {  	s21 =	simm.s32 @!p1 $0x2;
	[sflag:s31] =	ssyncadd.s32 $0xFFFFD000  }
0xac: {  	s10 =	sadd.s32 $0x4, s10;
	_ =	swait.ge @!p1 [sflag:s21], $0x3000  }
0xad: {  	s22 =	sshll.u32 @!p0 s10, $0x7;
	[sflag:s21] =	ssyncset.done @!p1 $0x0  }
0xae: {  	[sflag:s21] =	ssyncadd.s32 @!p1 $0xFFFFD000;
	s21 =	sand.u32 @!p0 $0x3FFFFF80, s22  }
0xaf: {  	v3 =	vld @!p0 [tilespmem:s21+$0x0];
	_ =	sdelay $0x4  }
0xb0: {  	v4 =	vshrl.u32 @!p0 v3, $0x3  }
0xb1: {  	v4 =	vmul.u32 @!p0 $0x30, v4  }
0xb2: {  	v5 =	vlaneseq.u32 @!p0;
	v3 =	vand.u32 @!p0 $0x7, v3  }
0xb3: {  	v6 =	vshrl.u32 @!p0 v5, $0x3;
	v3 =	vor.u32 @!p0 v3, v4;
	v4 =	vand.u32 @!p0 $0x7, v5  }
0xb4: {  	v6 =	vmul.u32 @!p0 $0x8, v6;
	v4 =	vperm.xlane @!p0 v3, v4;
	_ =	sdelay $0x1  }
0xb5: {  	v4 =	vadd.s32 @!p0 v6, v4;
	_ =	sdelay $0x2  }
0xb6: {  	v5 =	vor.u32 @!p0 $0x8, v5  }
0xb7: {  	s22 =	simm.s32 @!p0 $0x1C000;
	s21 =	simm.s32 @!p0 $0x0;
	v3 =	vperm.xlane @!p0 v3, v5  }
0xb8: {  	[tilespmem:s22], [sflag:$0x1] =	stream.indirect_vreg.gather @!p0 [hbm4b:s2+s21], $0x80, v4, vm1, $0xb8;
	[tilespmem:$0x1F000] =	vst v63  }
0xb9: {  	v3 =	vadd.s32 @!p0 v6, v3;
	s22 =	simm.s32 @!p0 $0x1C800  }
0xba: {  	[tilespmem:s22], [sflag:$0x1] =	stream.indirect_vreg.gather @!p0 [hbm4b:s8+s21], $0x80, v4, vm1, $0xb8;
	[tilespmem:$0x1F000] =	vst v63  }
0xbb: {  	s22 =	simm.s32 @!p0 $0x1D000  }
0xbc: {  	[tilespmem:s22], [sflag:$0x1] =	stream.indirect_vreg.gather @!p0 [hbm4b:s9+s21], $0x80, v4, vm1, $0xb8;
	[tilespmem:$0x1F000] =	vst v63  }
0xbd: {  	s22 =	simm.s32 @!p0 $0x1D800  }
0xbe: {  	[tilespmem:s22], [sflag:$0x1] =	stream.indirect_vreg.gather @!p0 [hbm4b:s2+s21], $0x80, v3, vm1, $0xb8;
	[tilespmem:$0x1F000] =	vst v63  }
0xbf: {  	s22 =	simm.s32 @!p0 $0x1E000  }
0xc0: {  	[tilespmem:s22], [sflag:$0x1] =	stream.indirect_vreg.gather @!p0 [hbm4b:s8+s21], $0x80, v3, vm1, $0xb8;
	[tilespmem:$0x1F000] =	vst v63  }
0xc1: {  	s22 =	simm.s32 @!p0 $0x1E800  }
0xc2: {  	[tilespmem:s22], [sflag:$0x1] =	stream.indirect_vreg.gather @!p0 [hbm4b:s9+s21], $0x80, v3, vm1, $0xb8;
	[tilespmem:$0x1F000] =	vst v63  }
0xc3: {  	s23 =	simm.s32 $0x0;
	s21 =	sadd.s32 $0x10, s20;
	s22 =	simm.s32 $0x0  }
.LBB2_7:
0xc4: {  	s25 =	sand.u32 $0x7, s22  }
0xc5: {  	s25 =	sshll.u32 s25, $0x9  }
0xc6: {  	s25 =	sshrl.u32 s25, $0x2  }
0xc7: {  	s26 =	sshrl.u32 s19, $0x3;
	v3 =	vmov s25  }
0xc8: {  	s26 =	smul.u32 $0x6000, s26;
	_ =	sdelay $0x1  }
0xc9: {  	s26 =	sshra.s32 s26, $0x2  }
0xca: {  	s29 =	sadd.s32 $0x4040, s26  }
0xcb: {  	v4 =	vld.idx.msk [tilespmem:v3+s29+$0x30 ss:$0x1], $0xffff  }
0xcc: {  	s30 =	sshrl.u32 s23, $0x3;
	v5 =	vld.idx.msk [tilespmem:v3+s29+$0xFFFFFFD0 ss:$0x1], $0xffff  }
0xcd: {  	s26 =	smul.u32 $0x6000, s30;
	v6 =	vld.idx.msk [tilespmem:v3+s29+$0xFFFFFFE0 ss:$0x1], $0xffff  }
0xce: {  	v7 =	vld.idx.msk [tilespmem:v3+s29+$0xFFFFFFF0 ss:$0x1], $0xffff  }
0xcf: {  	s26 =	sshra.s32 s26, $0x2;
	v8 =	vld.idx.msk [tilespmem:v3+s29+$0x0 ss:$0x1], $0xffff  }
0xd0: {  	s26 =	sadd.s32 $0x10000, s26;
	v9 =	vld.idx.msk [tilespmem:v3+s29+$0x10 ss:$0x1], $0xffff  }
0xd1: {  	s30 =	sadd.s32 s25, s26;
	v10 =	vld.idx.msk [tilespmem:v3+s29+$0xFFFFFFC0 ss:$0x1], $0xffff  }
0xd2: {  	[tilespmem:s30+$0x3070] =	vst.add.f32.msk $0xffff, v4  }
0xd3: {  	v4 =	vld.idx.msk [tilespmem:v3+s29+$0x20 ss:$0x1], $0xffff  }
0xd4: {  	[tilespmem:s30+$0x3010] =	vst.add.f32.msk $0xffff, v5  }
0xd5: {  	[tilespmem:s30+$0x3020] =	vst.add.f32.msk $0xffff, v6  }
0xd6: {  	[tilespmem:s30+$0x3030] =	vst.add.f32.msk $0xffff, v7  }
0xd7: {  	[tilespmem:s30+$0x3040] =	vst.add.f32.msk $0xffff, v8  }
0xd8: {  	[tilespmem:s30+$0x3050] =	vst.add.f32.msk $0xffff, v9  }
0xd9: {  	[tilespmem:s30+$0x3000] =	vst.add.f32.msk $0xffff, v10  }
0xda: {  	s28 =	simm.s32 $0x0;
	s29 =	sadd.s32 $0x400, s29;
	[tilespmem:s30+$0x3060] =	vst.add.f32.msk $0xffff, v4  }
.LBB2_8:
0xdb: {  	v4 =	vld.idx.msk [tilespmem:v3+s29+$0x30 ss:$0x1], $0xffff;
	s28 =	sadd.s32 $0x8, s28  }
0xdc: {  	v5 =	vld.idx.msk [tilespmem:v3+s29+$0xFFFFFFD0 ss:$0x1], $0xffff;
	p1 =	slt.u32 s28, $0x28  }
0xdd: {  	v6 =	vld.idx.msk [tilespmem:v3+s29+$0xFFFFFFE0 ss:$0x1], $0xffff  }
0xde: {  	v7 =	vld.idx.msk [tilespmem:v3+s29+$0xFFFFFFF0 ss:$0x1], $0xffff  }
0xdf: {  	s26 =	sadd.s32 $0x400, s26;
	v8 =	vld.idx.msk [tilespmem:v3+s29+$0x0 ss:$0x1], $0xffff  }
0xe0: {  	s30 =	sadd.s32 s25, s26;
	v9 =	vld.idx.msk [tilespmem:v3+s29+$0x10 ss:$0x1], $0xffff  }
0xe1: {  	[tilespmem:s30+$0x3070] =	vst.add.f32.msk $0xffff, v4  }
0xe2: {  	v4 =	vld.idx.msk [tilespmem:v3+s29+$0x20 ss:$0x1], $0xffff  }
0xe3: {  	v10 =	vld.idx.msk [tilespmem:v3+s29+$0xFFFFFFC0 ss:$0x1], $0xffff  }
0xe4: {  	[tilespmem:s30+$0x3010] =	vst.add.f32.msk $0xffff, v5  }
0xe5: {  	[tilespmem:s30+$0x3020] =	vst.add.f32.msk $0xffff, v6  }
.Ltmp4:
0xe6: {  	[tilespmem:s30+$0x3030] =	vst.add.f32.msk $0xffff, v7;
	(pc) =	sbr.rel @p1 .LBB2_8-.Ltmp4, $4  }
0xe7: {  	[tilespmem:s30+$0x3040] =	vst.add.f32.msk $0xffff, v8  }
0xe8: {  	[tilespmem:s30+$0x3050] =	vst.add.f32.msk $0xffff, v9  }
0xe9: {  	[tilespmem:s30+$0x3000] =	vst.add.f32.msk $0xffff, v10  }
0xea: {  	s29 =	sadd.s32 $0x400, s29;
	[tilespmem:s30+$0x3060] =	vst.add.f32.msk $0xffff, v4  }
0xeb: {  	s23 =	sadd.s32 $0x1, s23  }
0xec: {  	p1 =	sne.s32 s23, $0x10  }
.Ltmp5:
0xed: {  	_ = 	snop;
	(pc) =	sbr.rel @p1 .LBB2_7-.Ltmp5, $2  }
0xee: {  	_ =	sdelay $0x2  }
0xef: {  	s22 =	sadd.s32 $0x1, s22;
	s19 =	sadd.s32 $0x1, s19  }
0xf0: {  	s19 =	sadd.s32 s6, s21  }
0xf1: {  	s19 =	sshrl.u32 s19, $0x3  }
0xf2: {  	s19 =	smul.u32 $0x300, s19;
	_ =	sdelay $0x1  }
0xf3: {  	s19 =	sadd.s32 s4, s19  }
0xf4: {  	[hbm4b:s19+s5] =	stream.linear.scatter [tilespmem:s18], [sflag:$0x2], $0x3000, $0x38;
	[tilespmem:$0x1F000] =	vst v63  }
0xf5: {  	_ =	swait.ge [sflag:s31], $0x3000  }
0xf6: {  	[sflag:s31] =	ssyncset.done $0x0  }
0xf7: {  	[sflag:s31] =	ssyncadd.s32 $0xFFFFD000  }
0xf8: {  	s19 =	smul.u32 @!p0 $0xA00, s17;
	_ =	swait.ge [sflag:s0], $0x3000  }
0xf9: {  	[sflag:s0] =	ssyncset.done $0x0  }
0xfa: {  	s19 =	sshra.s32 @!p0 s19, $0x2;
	[sflag:s0] =	ssyncadd.s32 $0xFFFFD000  }
0xfb: {  	v3 =	vld @!p0 [tilespmem:s19+$0x280];
	_ =	sdelay $0x4  }
0xfc: {  	v4 =	vshrl.u32 @!p0 v3, $0x3  }
0xfd: {  	v4 =	vmul.u32 @!p0 $0x30, v4  }
0xfe: {  	v5 =	vlaneseq.u32 @!p0;
	v3 =	vand.u32 @!p0 $0x7, v3  }
0xff: {  	v6 =	vshrl.u32 @!p0 v5, $0x3;
	v3 =	vor.u32 @!p0 v3, v4;
	v4 =	vand.u32 @!p0 $0x7, v5  }
0x100: {  	v6 =	vmul.u32 @!p0 $0x8, v6;
	v4 =	vperm.xlane @!p0 v3, v4;
	_ =	sdelay $0x1  }
0x101: {  	v4 =	vadd.s32 @!p0 v6, v4;
	_ =	sdelay $0x2  }
0x102: {  	v5 =	vor.u32 @!p0 $0x8, v5  }
0x103: {  	s21 =	simm.s32 @!p0 $0x10000;
	s19 =	simm.s32 @!p0 $0x0;
	v3 =	vperm.xlane @!p0 v3, v5  }
0x104: {  	[tilespmem:s21], [sflag:$0x1] =	stream.indirect_vreg.gather @!p0 [hbm4b:s2+s19], $0x80, v4, vm1, $0xb8;
	[tilespmem:$0x1F000] =	vst v63  }
0x105: {  	v3 =	vadd.s32 @!p0 v6, v3;
	s21 =	simm.s32 @!p0 $0x10800  }
0x106: {  	[tilespmem:s21], [sflag:$0x1] =	stream.indirect_vreg.gather @!p0 [hbm4b:s8+s19], $0x80, v4, vm1, $0xb8;
	[tilespmem:$0x1F000] =	vst v63  }
0x107: {  	s21 =	simm.s32 @!p0 $0x11000  }
0x108: {  	[tilespmem:s21], [sflag:$0x1] =	stream.indirect_vreg.gather @!p0 [hbm4b:s9+s19], $0x80, v4, vm1, $0xb8;
	[tilespmem:$0x1F000] =	vst v63  }
0x109: {  	s21 =	simm.s32 @!p0 $0x11800  }
0x10a: {  	[tilespmem:s21], [sflag:$0x1] =	stream.indirect_vreg.gather @!p0 [hbm4b:s2+s19], $0x80, v3, vm1, $0xb8;
	[tilespmem:$0x1F000] =	vst v63  }
0x10b: {  	s21 =	simm.s32 @!p0 $0x12000  }
0x10c: {  	[tilespmem:s21], [sflag:$0x1] =	stream.indirect_vreg.gather @!p0 [hbm4b:s8+s19], $0x80, v3, vm1, $0xb8;
	[tilespmem:$0x1F000] =	vst v63  }
0x10d: {  	s21 =	simm.s32 @!p0 $0x12800  }
0x10e: {  	[tilespmem:s21], [sflag:$0x1] =	stream.indirect_vreg.gather @!p0 [hbm4b:s9+s19], $0x80, v3, vm1, $0xb8;
	[tilespmem:$0x1F000] =	vst v63  }
0x10f: {  	s19 =	sadd.s32 $0x20, s20;
	s20 =	simm.s32 $0x0;
	s21 =	simm.s32 $0x0  }
.LBB2_11:
0x110: {  	s22 =	sand.u32 $0x7, s20  }
0x111: {  	s22 =	sshll.u32 s22, $0x9  }
0x112: {  	s22 =	sshrl.u32 s22, $0x2  }
0x113: {  	s23 =	sshrl.u32 s3, $0x3;
	v3 =	vmov s22  }
0x114: {  	s23 =	smul.u32 $0x6000, s23;
	_ =	sdelay $0x1  }
0x115: {  	s23 =	sshra.s32 s23, $0x2  }
0x116: {  	s26 =	sadd.s32 $0x4040, s23  }
0x117: {  	v4 =	vld.idx.msk [tilespmem:v3+s26+$0x30 ss:$0x1], $0xffff  }
0x118: {  	s30 =	sshrl.u32 s21, $0x3;
	v5 =	vld.idx.msk [tilespmem:v3+s26+$0xFFFFFFD0 ss:$0x1], $0xffff  }
0x119: {  	s23 =	smul.u32 $0x6000, s30;
	v6 =	vld.idx.msk [tilespmem:v3+s26+$0xFFFFFFE0 ss:$0x1], $0xffff  }
0x11a: {  	v7 =	vld.idx.msk [tilespmem:v3+s26+$0xFFFFFFF0 ss:$0x1], $0xffff  }
0x11b: {  	s23 =	sshra.s32 s23, $0x2;
	v8 =	vld.idx.msk [tilespmem:v3+s26+$0x0 ss:$0x1], $0xffff  }
0x11c: {  	s23 =	sadd.s32 $0x10000, s23;
	v9 =	vld.idx.msk [tilespmem:v3+s26+$0x10 ss:$0x1], $0xffff  }
0x11d: {  	s28 =	sadd.s32 s22, s23;
	v10 =	vld.idx.msk [tilespmem:v3+s26+$0xFFFFFFC0 ss:$0x1], $0xffff  }
0x11e: {  	[tilespmem:s28+$0x6070] =	vst.add.f32.msk $0xffff, v4  }
0x11f: {  	v4 =	vld.idx.msk [tilespmem:v3+s26+$0x20 ss:$0x1], $0xffff  }
0x120: {  	[tilespmem:s28+$0x6010] =	vst.add.f32.msk $0xffff, v5  }
0x121: {  	[tilespmem:s28+$0x6020] =	vst.add.f32.msk $0xffff, v6  }
0x122: {  	[tilespmem:s28+$0x6030] =	vst.add.f32.msk $0xffff, v7  }
0x123: {  	[tilespmem:s28+$0x6040] =	vst.add.f32.msk $0xffff, v8  }
0x124: {  	[tilespmem:s28+$0x6050] =	vst.add.f32.msk $0xffff, v9  }
0x125: {  	[tilespmem:s28+$0x6000] =	vst.add.f32.msk $0xffff, v10  }
0x126: {  	s25 =	simm.s32 $0x0;
	s26 =	sadd.s32 $0x400, s26;
	[tilespmem:s28+$0x6060] =	vst.add.f32.msk $0xffff, v4  }
.LBB2_12:
0x127: {  	v4 =	vld.idx.msk [tilespmem:v3+s26+$0x30 ss:$0x1], $0xffff;
	s25 =	sadd.s32 $0x8, s25  }
0x128: {  	v5 =	vld.idx.msk [tilespmem:v3+s26+$0xFFFFFFD0 ss:$0x1], $0xffff;
	p1 =	slt.u32 s25, $0x28  }
0x129: {  	v6 =	vld.idx.msk [tilespmem:v3+s26+$0xFFFFFFE0 ss:$0x1], $0xffff  }
0x12a: {  	v7 =	vld.idx.msk [tilespmem:v3+s26+$0xFFFFFFF0 ss:$0x1], $0xffff  }
0x12b: {  	s23 =	sadd.s32 $0x400, s23;
	v8 =	vld.idx.msk [tilespmem:v3+s26+$0x0 ss:$0x1], $0xffff  }
0x12c: {  	s28 =	sadd.s32 s22, s23;
	v9 =	vld.idx.msk [tilespmem:v3+s26+$0x10 ss:$0x1], $0xffff  }
0x12d: {  	[tilespmem:s28+$0x6070] =	vst.add.f32.msk $0xffff, v4  }
0x12e: {  	v4 =	vld.idx.msk [tilespmem:v3+s26+$0x20 ss:$0x1], $0xffff  }
0x12f: {  	v10 =	vld.idx.msk [tilespmem:v3+s26+$0xFFFFFFC0 ss:$0x1], $0xffff  }
0x130: {  	[tilespmem:s28+$0x6010] =	vst.add.f32.msk $0xffff, v5  }
0x131: {  	[tilespmem:s28+$0x6020] =	vst.add.f32.msk $0xffff, v6  }
.Ltmp6:
0x132: {  	[tilespmem:s28+$0x6030] =	vst.add.f32.msk $0xffff, v7;
	(pc) =	sbr.rel @p1 .LBB2_12-.Ltmp6, $4  }
0x133: {  	[tilespmem:s28+$0x6040] =	vst.add.f32.msk $0xffff, v8  }
0x134: {  	[tilespmem:s28+$0x6050] =	vst.add.f32.msk $0xffff, v9  }
0x135: {  	[tilespmem:s28+$0x6000] =	vst.add.f32.msk $0xffff, v10  }
0x136: {  	s26 =	sadd.s32 $0x400, s26;
	[tilespmem:s28+$0x6060] =	vst.add.f32.msk $0xffff, v4  }
0x137: {  	s21 =	sadd.s32 $0x1, s21  }
0x138: {  	p1 =	sne.s32 s21, $0x10  }
.Ltmp7:
0x139: {  	_ = 	snop;
	(pc) =	sbr.rel @p1 .LBB2_11-.Ltmp7, $2  }
0x13a: {  	_ =	sdelay $0x2  }
0x13b: {  	s20 =	sadd.s32 $0x1, s20;
	s3 =	sadd.s32 $0x1, s3  }
0x13c: {  	s3 =	sadd.s32 s6, s19  }
.Ltmp8:
0x13d: {  	s3 =	sshrl.u32 s3, $0x3;
	(pc) =	sbr.rel @p0 .LBB2_24-.Ltmp8, $3  }
0x13e: {  	s3 =	smul.u32 $0x300, s3;
	_ =	sdelay $0x1  }
0x13f: {  	s3 =	sadd.s32 s4, s3  }
0x140: {  	[hbm4b:s3+s5] =	stream.linear.scatter [tilespmem:s24], [sflag:$0x2], $0x3000, $0x38;
	[tilespmem:$0x1F000] =	vst v63  }
0x141: {  	_ =	swait.ge [sflag:s31], $0x3000  }
0x142: {  	[sflag:s31] =	ssyncset.done $0x0  }
0x143: {  	[sflag:s31] =	ssyncadd.s32 $0xFFFFD000  }
0x144: {  	s3 =	smul.u32 $0xA00, s17;
	_ =	swait.ge [sflag:s0], $0x3000  }
0x145: {  	[sflag:s0] =	ssyncset.done $0x0  }
0x146: {  	s3 =	sshra.s32 s3, $0x2;
	[sflag:s0] =	ssyncadd.s32 $0xFFFFD000  }
0x147: {  	v3 =	vld [tilespmem:s3+$0x300];
	_ =	sdelay $0x4  }
0x148: {  	v4 =	vshrl.u32 v3, $0x3  }
0x149: {  	v4 =	vmul.u32 $0x30, v4  }
0x14a: {  	v3 =	vand.u32 $0x7, v3  }
0x14b: {  	v3 =	vor.u32 v3, v4  }
0x14c: {  	v4 =	vperm.xlane v3, v0;
	_ =	sdelay $0x1  }
0x14d: {  	v4 =	vadd.s32 v1, v4;
	_ =	sdelay $0x3  }
0x14e: {  	s19 =	simm.s32 $0x0;
	v3 =	vperm.xlane v3, v2  }
0x14f: {  	[tilespmem:s18], [sflag:$0x1] =	stream.indirect_vreg.gather [hbm4b:s2+s19], $0x80, v4, vm0, $0xb8;
	[tilespmem:$0x1F000] =	vst v63  }
0x150: {  	s20 =	simm.s32 $0x13800;
	v3 =	vadd.s32 v1, v3  }
0x151: {  	[tilespmem:s20], [sflag:$0x1] =	stream.indirect_vreg.gather [hbm4b:s8+s19], $0x80, v4, vm0, $0xb8;
	[tilespmem:$0x1F000] =	vst v63  }
0x152: {  	s26 =	simm.s32 $0x14000  }
0x153: {  	[tilespmem:s26], [sflag:$0x1] =	stream.indirect_vreg.gather [hbm4b:s9+s19], $0x80, v4, vm0, $0xb8;
	[tilespmem:$0x1F000] =	vst v63  }
0x154: {  	s28 =	simm.s32 $0x14800  }
0x155: {  	[tilespmem:s28], [sflag:$0x1] =	stream.indirect_vreg.gather [hbm4b:s2+s19], $0x80, v3, vm0, $0xb8;
	[tilespmem:$0x1F000] =	vst v63  }
0x156: {  	s29 =	simm.s32 $0x15000  }
0x157: {  	[tilespmem:s29], [sflag:$0x1] =	stream.indirect_vreg.gather [hbm4b:s8+s19], $0x80, v3, vm0, $0xb8;
	[tilespmem:$0x1F000] =	vst v63  }
0x158: {  	s30 =	simm.s32 $0x15800;
	s1 =	sshll.u32 s1, $0x4;
	s20 =	simm.s32 $0x0  }
0x159: {  	[tilespmem:s30], [sflag:$0x1] =	stream.indirect_vreg.gather [hbm4b:s9+s19], $0x80, v3, vm0, $0xb8;
	[tilespmem:$0x1F000] =	vst v63  }
.LBB2_16:
0x15a: {  	s21 =	sand.u32 $0x7, s19  }
0x15b: {  	s21 =	sshll.u32 s21, $0x9  }
0x15c: {  	s21 =	sshrl.u32 s21, $0x2  }
0x15d: {  	s22 =	sshrl.u32 s11, $0x3;
	v3 =	vmov s21  }
0x15e: {  	s22 =	smul.u32 $0x6000, s22;
	_ =	sdelay $0x1  }
0x15f: {  	s22 =	sshra.s32 s22, $0x2  }
0x160: {  	s25 =	sadd.s32 $0x4040, s22  }
0x161: {  	v4 =	vld.idx.msk [tilespmem:v3+s25+$0x30 ss:$0x1], $0xffff  }
0x162: {  	s30 =	sshrl.u32 s20, $0x3;
	v5 =	vld.idx.msk [tilespmem:v3+s25+$0xFFFFFFD0 ss:$0x1], $0xffff  }
0x163: {  	s22 =	smul.u32 $0x6000, s30;
	v6 =	vld.idx.msk [tilespmem:v3+s25+$0xFFFFFFE0 ss:$0x1], $0xffff  }
0x164: {  	v7 =	vld.idx.msk [tilespmem:v3+s25+$0xFFFFFFF0 ss:$0x1], $0xffff  }
0x165: {  	s22 =	sshra.s32 s22, $0x2;
	v8 =	vld.idx.msk [tilespmem:v3+s25+$0x0 ss:$0x1], $0xffff  }
0x166: {  	s22 =	sadd.s32 $0x10000, s22;
	v9 =	vld.idx.msk [tilespmem:v3+s25+$0x10 ss:$0x1], $0xffff  }
0x167: {  	s26 =	sadd.s32 s21, s22;
	v10 =	vld.idx.msk [tilespmem:v3+s25+$0xFFFFFFC0 ss:$0x1], $0xffff  }
0x168: {  	[tilespmem:s26+$0x9070] =	vst.add.f32.msk $0xffff, v4  }
0x169: {  	v4 =	vld.idx.msk [tilespmem:v3+s25+$0x20 ss:$0x1], $0xffff  }
0x16a: {  	[tilespmem:s26+$0x9010] =	vst.add.f32.msk $0xffff, v5  }
0x16b: {  	[tilespmem:s26+$0x9020] =	vst.add.f32.msk $0xffff, v6  }
0x16c: {  	[tilespmem:s26+$0x9030] =	vst.add.f32.msk $0xffff, v7  }
0x16d: {  	[tilespmem:s26+$0x9040] =	vst.add.f32.msk $0xffff, v8  }
0x16e: {  	[tilespmem:s26+$0x9050] =	vst.add.f32.msk $0xffff, v9  }
0x16f: {  	[tilespmem:s26+$0x9000] =	vst.add.f32.msk $0xffff, v10  }
0x170: {  	s23 =	simm.s32 $0x0;
	s25 =	sadd.s32 $0x400, s25;
	[tilespmem:s26+$0x9060] =	vst.add.f32.msk $0xffff, v4  }
.LBB2_17:
0x171: {  	v4 =	vld.idx.msk [tilespmem:v3+s25+$0x30 ss:$0x1], $0xffff;
	s23 =	sadd.s32 $0x8, s23  }
0x172: {  	v5 =	vld.idx.msk [tilespmem:v3+s25+$0xFFFFFFD0 ss:$0x1], $0xffff;
	p0 =	slt.u32 s23, $0x28  }
0x173: {  	v6 =	vld.idx.msk [tilespmem:v3+s25+$0xFFFFFFE0 ss:$0x1], $0xffff  }
0x174: {  	v7 =	vld.idx.msk [tilespmem:v3+s25+$0xFFFFFFF0 ss:$0x1], $0xffff  }
0x175: {  	s22 =	sadd.s32 $0x400, s22;
	v8 =	vld.idx.msk [tilespmem:v3+s25+$0x0 ss:$0x1], $0xffff  }
0x176: {  	s26 =	sadd.s32 s21, s22;
	v9 =	vld.idx.msk [tilespmem:v3+s25+$0x10 ss:$0x1], $0xffff  }
0x177: {  	[tilespmem:s26+$0x9070] =	vst.add.f32.msk $0xffff, v4  }
0x178: {  	v4 =	vld.idx.msk [tilespmem:v3+s25+$0x20 ss:$0x1], $0xffff  }
0x179: {  	v10 =	vld.idx.msk [tilespmem:v3+s25+$0xFFFFFFC0 ss:$0x1], $0xffff  }
0x17a: {  	[tilespmem:s26+$0x9010] =	vst.add.f32.msk $0xffff, v5  }
0x17b: {  	[tilespmem:s26+$0x9020] =	vst.add.f32.msk $0xffff, v6  }
.Ltmp9:
0x17c: {  	[tilespmem:s26+$0x9030] =	vst.add.f32.msk $0xffff, v7;
	(pc) =	sbr.rel @p0 .LBB2_17-.Ltmp9, $4  }
0x17d: {  	[tilespmem:s26+$0x9040] =	vst.add.f32.msk $0xffff, v8  }
0x17e: {  	[tilespmem:s26+$0x9050] =	vst.add.f32.msk $0xffff, v9  }
0x17f: {  	[tilespmem:s26+$0x9000] =	vst.add.f32.msk $0xffff, v10  }
0x180: {  	s25 =	sadd.s32 $0x400, s25;
	[tilespmem:s26+$0x9060] =	vst.add.f32.msk $0xffff, v4  }
0x181: {  	s20 =	sadd.s32 $0x1, s20  }
0x182: {  	p0 =	sne.s32 s20, $0x10  }
.Ltmp10:
0x183: {  	_ = 	snop;
	(pc) =	sbr.rel @p0 .LBB2_16-.Ltmp10, $2  }
0x184: {  	_ =	sdelay $0x2  }
0x185: {  	s19 =	sadd.s32 $0x1, s19;
	s11 =	sadd.s32 $0x1, s11  }
0x186: {  	s1 =	sadd.s32 s6, s1  }
0x187: {  	s1 =	sshrl.u32 s1, $0x3  }
0x188: {  	s1 =	smul.u32 $0x300, s1;
	_ =	sdelay $0x1  }
0x189: {  	s19 =	simm.s32 $0x19000;
	s11 =	sadd.s32 s4, s1;
	s1 =	simm.s32 $0x0  }
0x18a: {  	[hbm4b:s11+s1] =	stream.linear.scatter [tilespmem:s19], [sflag:$0x2], $0x3000, $0x38;
	[tilespmem:$0x1F000] =	vst v63  }
0x18b: {  	_ =	swait.ge [sflag:s31], $0x3000  }
0x18c: {  	[sflag:s31] =	ssyncset.done $0x0  }
0x18d: {  	[sflag:s31] =	ssyncadd.s32 $0xFFFFD000  }
0x18e: {  	_ =	swait.ge [sflag:s0], $0x3000  }
0x18f: {  	[sflag:s0] =	ssyncset.done $0x0  }
0x190: {  	[sflag:s0] =	ssyncadd.s32 $0xFFFFD000  }
0x191: {  	v3 =	vld [tilespmem:s3+$0x380];
	_ =	sdelay $0x4  }
0x192: {  	v4 =	vshrl.u32 v3, $0x3  }
0x193: {  	v4 =	vmul.u32 $0x30, v4  }
0x194: {  	v3 =	vand.u32 $0x7, v3  }
0x195: {  	v3 =	vor.u32 v3, v4  }
0x196: {  	v4 =	vperm.xlane v3, v0;
	_ =	sdelay $0x1  }
0x197: {  	v4 =	vadd.s32 v1, v4;
	_ =	sdelay $0x3  }
0x198: {  	v3 =	vperm.xlane v3, v2  }
0x199: {  	[tilespmem:s24], [sflag:$0x1] =	stream.indirect_vreg.gather [hbm4b:s2+s1], $0x80, v4, vm0, $0xb8;
	[tilespmem:$0x1F000] =	vst v63  }
0x19a: {  	s25 =	simm.s32 $0x16800;
	v3 =	vadd.s32 v1, v3  }
0x19b: {  	[tilespmem:s25], [sflag:$0x1] =	stream.indirect_vreg.gather [hbm4b:s8+s1], $0x80, v4, vm0, $0xb8;
	[tilespmem:$0x1F000] =	vst v63  }
0x19c: {  	s26 =	simm.s32 $0x17000  }
0x19d: {  	[tilespmem:s26], [sflag:$0x1] =	stream.indirect_vreg.gather [hbm4b:s9+s1], $0x80, v4, vm0, $0xb8;
	[tilespmem:$0x1F000] =	vst v63  }
0x19e: {  	s28 =	simm.s32 $0x17800  }
0x19f: {  	[tilespmem:s28], [sflag:$0x1] =	stream.indirect_vreg.gather [hbm4b:s2+s1], $0x80, v3, vm0, $0xb8;
	[tilespmem:$0x1F000] =	vst v63  }
0x1a0: {  	s29 =	simm.s32 $0x18000  }
0x1a1: {  	[tilespmem:s29], [sflag:$0x1] =	stream.indirect_vreg.gather [hbm4b:s8+s1], $0x80, v3, vm0, $0xb8;
	[tilespmem:$0x1F000] =	vst v63  }
0x1a2: {  	s30 =	simm.s32 $0x18800;
	s3 =	simm.s32 $0x0  }
0x1a3: {  	[tilespmem:s30], [sflag:$0x1] =	stream.indirect_vreg.gather [hbm4b:s9+s1], $0x80, v3, vm0, $0xb8;
	[tilespmem:$0x1F000] =	vst v63  }
.LBB2_20:
0x1a4: {  	s11 =	sand.u32 $0x7, s1  }
0x1a5: {  	s11 =	sshll.u32 s11, $0x9  }
0x1a6: {  	s11 =	sshrl.u32 s11, $0x2  }
0x1a7: {  	s19 =	sshrl.u32 s7, $0x3;
	v3 =	vmov s11  }
0x1a8: {  	s19 =	smul.u32 $0x6000, s19;
	_ =	sdelay $0x1  }
0x1a9: {  	s19 =	sshra.s32 s19, $0x2  }
0x1aa: {  	s21 =	sadd.s32 $0x4040, s19  }
0x1ab: {  	v4 =	vld.idx.msk [tilespmem:v3+s21+$0x30 ss:$0x1], $0xffff  }
0x1ac: {  	s30 =	sshrl.u32 s3, $0x3;
	v5 =	vld.idx.msk [tilespmem:v3+s21+$0xFFFFFFD0 ss:$0x1], $0xffff  }
0x1ad: {  	s19 =	smul.u32 $0x6000, s30;
	v6 =	vld.idx.msk [tilespmem:v3+s21+$0xFFFFFFE0 ss:$0x1], $0xffff  }
0x1ae: {  	v7 =	vld.idx.msk [tilespmem:v3+s21+$0xFFFFFFF0 ss:$0x1], $0xffff  }
0x1af: {  	s19 =	sshra.s32 s19, $0x2;
	v8 =	vld.idx.msk [tilespmem:v3+s21+$0x0 ss:$0x1], $0xffff  }
0x1b0: {  	s19 =	sadd.s32 $0x10000, s19;
	v9 =	vld.idx.msk [tilespmem:v3+s21+$0x10 ss:$0x1], $0xffff  }
0x1b1: {  	s22 =	sadd.s32 s11, s19;
	v10 =	vld.idx.msk [tilespmem:v3+s21+$0xFFFFFFC0 ss:$0x1], $0xffff  }
0x1b2: {  	[tilespmem:s22+$0xC070] =	vst.add.f32.msk $0xffff, v4  }
0x1b3: {  	v4 =	vld.idx.msk [tilespmem:v3+s21+$0x20 ss:$0x1], $0xffff  }
0x1b4: {  	[tilespmem:s22+$0xC010] =	vst.add.f32.msk $0xffff, v5  }
0x1b5: {  	[tilespmem:s22+$0xC020] =	vst.add.f32.msk $0xffff, v6  }
0x1b6: {  	[tilespmem:s22+$0xC030] =	vst.add.f32.msk $0xffff, v7  }
0x1b7: {  	[tilespmem:s22+$0xC040] =	vst.add.f32.msk $0xffff, v8  }
0x1b8: {  	[tilespmem:s22+$0xC050] =	vst.add.f32.msk $0xffff, v9  }
0x1b9: {  	[tilespmem:s22+$0xC000] =	vst.add.f32.msk $0xffff, v10  }
0x1ba: {  	s20 =	simm.s32 $0x0;
	s21 =	sadd.s32 $0x400, s21;
	[tilespmem:s22+$0xC060] =	vst.add.f32.msk $0xffff, v4  }
.LBB2_21:
0x1bb: {  	v4 =	vld.idx.msk [tilespmem:v3+s21+$0x30 ss:$0x1], $0xffff;
	s20 =	sadd.s32 $0x8, s20  }
0x1bc: {  	v5 =	vld.idx.msk [tilespmem:v3+s21+$0xFFFFFFD0 ss:$0x1], $0xffff;
	p0 =	slt.u32 s20, $0x28  }
0x1bd: {  	v6 =	vld.idx.msk [tilespmem:v3+s21+$0xFFFFFFE0 ss:$0x1], $0xffff  }
0x1be: {  	v7 =	vld.idx.msk [tilespmem:v3+s21+$0xFFFFFFF0 ss:$0x1], $0xffff  }
0x1bf: {  	s19 =	sadd.s32 $0x400, s19;
	v8 =	vld.idx.msk [tilespmem:v3+s21+$0x0 ss:$0x1], $0xffff  }
0x1c0: {  	s22 =	sadd.s32 s11, s19;
	v9 =	vld.idx.msk [tilespmem:v3+s21+$0x10 ss:$0x1], $0xffff  }
0x1c1: {  	[tilespmem:s22+$0xC070] =	vst.add.f32.msk $0xffff, v4  }
0x1c2: {  	v4 =	vld.idx.msk [tilespmem:v3+s21+$0x20 ss:$0x1], $0xffff  }
0x1c3: {  	v10 =	vld.idx.msk [tilespmem:v3+s21+$0xFFFFFFC0 ss:$0x1], $0xffff  }
0x1c4: {  	[tilespmem:s22+$0xC010] =	vst.add.f32.msk $0xffff, v5  }
0x1c5: {  	[tilespmem:s22+$0xC020] =	vst.add.f32.msk $0xffff, v6  }
.Ltmp11:
0x1c6: {  	[tilespmem:s22+$0xC030] =	vst.add.f32.msk $0xffff, v7;
	(pc) =	sbr.rel @p0 .LBB2_21-.Ltmp11, $4  }
0x1c7: {  	[tilespmem:s22+$0xC040] =	vst.add.f32.msk $0xffff, v8  }
0x1c8: {  	[tilespmem:s22+$0xC050] =	vst.add.f32.msk $0xffff, v9  }
0x1c9: {  	[tilespmem:s22+$0xC000] =	vst.add.f32.msk $0xffff, v10  }
0x1ca: {  	s21 =	sadd.s32 $0x400, s21;
	[tilespmem:s22+$0xC060] =	vst.add.f32.msk $0xffff, v4  }
0x1cb: {  	s3 =	sadd.s32 $0x1, s3  }
0x1cc: {  	p0 =	sne.s32 s3, $0x10  }
.Ltmp12:
0x1cd: {  	_ = 	snop;
	(pc) =	sbr.rel @p0 .LBB2_20-.Ltmp12, $2  }
0x1ce: {  	_ =	sdelay $0x2  }
0x1cf: {  	s1 =	sadd.s32 $0x1, s1;
	s7 =	sadd.s32 $0x1, s7  }
0x1d0: {  	s1 =	sshll.u32 s10, $0x4  }
0x1d1: {  	s1 =	sadd.s32 s6, s1  }
0x1d2: {  	s17 =	sadd.s32 $0x1, s17;
	s1 =	sshrl.u32 s1, $0x3  }
0x1d3: {  	p0 =	sne.s32 s17, $0x1A;
	s1 =	smul.u32 $0x300, s1  }
.Ltmp13:
0x1d4: {  	_ = 	snop;
	(pc) =	sbr.rel @p0 .LBB2_2-.Ltmp13, $4  }
.Ltmp14:
0x1d5: {  	_ = 	snop;
	(pc) =	sbr.rel @!p0 .LBB2_24-.Ltmp14, $4  }
0x1d6: {  	s3 =	simm.s32 $0x1C000;
	s16 =	sadd.s32 $0x1, s16;
	s15 =	sadd.s32 $0x1, s15  }
0x1d7: {  	s14 =	sadd.s32 $0x1, s14;
	s13 =	sadd.s32 $0x1, s13;
	s1 =	sadd.s32 s4, s1  }
0x1d8: {  	[hbm4b:s1+s5] =	stream.linear.scatter [tilespmem:s3], [sflag:$0x2], $0x3000, $0x38;
	[tilespmem:$0x1F000] =	vst v63  }
0x1d9: {  	_ = 	snop  }
.LBB2_25:
0x1da: {  	_ =	sfence.sel $0x180000  }
0x1db: {  	[bflag:$0x0] =	sbarrier.arrive $0xFFFF  }
0x1dc: {  	_ =	strace $0x90000047  }
0x1dd: {  	s0 =	stileid.u32;
	[bflag:$0x2] =	sbarrier.arrive $0xFFFF  }
0x1de: {  	p0 =	sne.s32 s0, $0x0;
	s0 =	rddreg [dreg:$0x4]  }
0x1df: {  	s0 =	sadd.s32 @!p0 $0x100000, s0  }
0x1e0: {  	[sflag:s0] =	ssyncadd.tile.s32 @!p0 $0x1;
	_ =	shalt  }
.Lfunc_end2:
_tile_overlayer_lowered:
.L_overlay_start_2:
0x1e1: {  	(tag) =	ssettag $0x2  }
0x1e2: {  	s0 =	rddreg [dreg:$0x0];
	s2 =	stileid.u32  }
0x1e3: {  	s1 =	rddreg [dreg:$0x1];
	p0 =	sne.s32 s2, $0x0  }
0x1e4: {  	s3 =	rddreg [dreg:$0x2];
	[bflag:$0x3] =	sbarrier.arrive $0xFFFF;
	s2 =	simm.s32 @!p0 $0x1C03  }
0x1e5: {  	[timem:s3], [sflag:s2] =	dma.local @!p0 [hbm:s0], s1  }
0x1e6: {  	s0 =	simm.s32 @!p0 $0x3  }
0x1e7: {  	_ =	swait.ge @!p0 [sflag:s0], s1  }
0x1e8: {  	s1 =	ssub.s32 @!p0 $0x0, s1;
	[sflag:s0] =	ssyncset.done @!p0 $0x0  }
0x1e9: {  	[sflag:s0] =	ssyncadd.s32 @!p0 s1  }
0x1ea: {  	[bflag:$0x3] =	sbarrier.arrive $0xFFFF  }
0x1eb: {  	_ =	shalt  }

</sc_bundles>
